<compile_context>
chip_gen: v7x
topology: tpu7x:2x2x1
jax: 0.10.2.dev20260603
libtpu: 0.0.44.dev20260713+nightly
codegen_flags: <defaults>
</compile_context>

<pallas_src>
import functools

import jax
import jax.numpy as jnp
from jax import lax
from jax.experimental import pallas as pl
from jax.experimental.pallas import tpu as pltpu
from jax.experimental.pallas import tpu_sc as plsc

N = 10000
E = 320000
F = 128
OUT_F = 121

NC = 2
NS = 16
NW = NC * NS
EPW = E // NW
CH = 80
NCHUNK = EPW // CH
G = NW * NCHUNK
NPAD = 10240
RPT = NPAD // NS
CW = 16

_mesh = plsc.VectorSubcoreMesh(core_axis_name="c", subcore_axis_name="s")


@functools.partial(
    pl.kernel,
    mesh=_mesh,
    out_type=[
        jax.ShapeDtypeStruct((NC, NPAD, F), jnp.float32),
    ],
    scratch_types=[
        pltpu.VMEM((CH,), jnp.int32),
        pltpu.VMEM((CH,), jnp.int32),
        pltpu.VMEM((CH,), jnp.int32),
        pltpu.VMEM((CH,), jnp.int32),
        pltpu.VMEM((CH, F), jnp.float32),
        pltpu.VMEM((CH, F), jnp.float32),
        pltpu.VMEM_SHARED((NPAD, F), jnp.float32),
        pltpu.SemaphoreType.DMA,
        pltpu.SemaphoreType.DMA,
    ],
)
def _sc_agg(x_hbm, src_hbm, dst_hbm, zf_hbm,
            sums_out,
            src0, dst0, src1, dst1, rows0, rows1, acc_sh, sem0, sem1):
    c = lax.axis_index("c")
    s = lax.axis_index("s")
    wid = c * NS + s

    pltpu.sync_copy(zf_hbm.at[pl.ds(s * RPT, RPT)], acc_sh.at[pl.ds(s * RPT, RPT)])
    plsc.subcore_barrier()

    base = wid * NCHUNK

    def load_idx(j, src_f, dst_f):
        g = jnp.minimum(base + j, base + NCHUNK - 1) * CH
        pltpu.sync_copy(src_hbm.at[pl.ds(g, CH)], src_f)
        pltpu.sync_copy(dst_hbm.at[pl.ds(g, CH)], dst_f)

    load_idx(0, src0, dst0)
    pltpu.async_copy(x_hbm.at[src0], rows0, sem0)
    load_idx(1, src1, dst1)

    def body(i, carry):
        j0 = 2 * i
        pltpu.async_copy(x_hbm.at[src1], rows1, sem1)
        pltpu.make_async_copy(x_hbm.at[src0], rows0, sem0).wait()
        pltpu.sync_copy(rows0, acc_sh.at[dst0], add=True)
        load_idx(j0 + 2, src0, dst0)
        pltpu.async_copy(x_hbm.at[src0], rows0, sem0)
        pltpu.make_async_copy(x_hbm.at[src1], rows1, sem1).wait()
        pltpu.sync_copy(rows1, acc_sh.at[dst1], add=True)
        load_idx(j0 + 3, src1, dst1)
        return carry

    lax.fori_loop(0, (NCHUNK - 1) // 2, body, 0)
    pltpu.make_async_copy(x_hbm.at[src0], rows0, sem0).wait()
    pltpu.sync_copy(rows0, acc_sh.at[dst0], add=True)
    plsc.subcore_barrier()

    pltpu.sync_copy(acc_sh.at[pl.ds(s * RPT, RPT)],
                    sums_out.at[c, pl.ds(s * RPT, RPT)])


B = 1024


def _dense_body(relu, p_ref, c_ref, t_ref, wl_ref, b_ref, wr_ref, o_ref):
    ssum = p_ref[0] + p_ref[1]
    cnt = c_ref[0, :, 0:1] + c_ref[1, :, 0:1]
    mean = ssum / jnp.maximum(cnt, 1.0)
    r = (lax.dot_general(mean, wl_ref[...], (((1,), (1,)), ((), ())),
                         preferred_element_type=jnp.float32)
         + b_ref[...]
         + lax.dot_general(t_ref[...], wr_ref[...], (((1,), (1,)), ((), ())),
                           preferred_element_type=jnp.float32))
    o_ref[...] = jnp.maximum(r, 0.0) if relu else r


def _dense(p, cnts, t, W_l, b, W_r, relu):
    out_f = W_l.shape[0]
    return pl.pallas_call(
        functools.partial(_dense_body, relu),
        grid=(NPAD // B,),
        in_specs=[
            pl.BlockSpec((NC, B, F), lambda i: (0, i, 0)),
            pl.BlockSpec((NC, B, F), lambda i: (0, i, 0)),
            pl.BlockSpec((B, F), lambda i: (i, 0)),
            pl.BlockSpec((out_f, F), lambda i: (0, 0)),
            pl.BlockSpec((1, out_f), lambda i: (0, 0)),
            pl.BlockSpec((out_f, F), lambda i: (0, 0)),
        ],
        out_specs=pl.BlockSpec((B, out_f), lambda i: (i, 0)),
        out_shape=jax.ShapeDtypeStruct((NPAD, out_f), jnp.float32),
    )(p, cnts, t, W_l, b.reshape(1, out_f), W_r)


def kernel(x, edge_index, W1_l, b1, W1_r, W2_l, b2, W2_r):
    src = edge_index[0]
    dst = edge_index[1]
    zf = jnp.zeros((NPAD, F), jnp.float32)
    ones_tab = jnp.ones((NPAD, F), jnp.float32)
    xp = jnp.pad(x, ((0, NPAD - N), (0, 0)))

    cnts, = _sc_agg(ones_tab, src, dst, zf)
    xp_seq, src_seq = lax.optimization_barrier((xp, src, cnts))[:2]
    sums1, = _sc_agg(xp_seq, src_seq, dst, zf)
    h = _dense(sums1, cnts, xp, W1_l, b1, W1_r, relu=True)
    sums2, = _sc_agg(h, src, dst, zf)
    out = _dense(sums2, cnts, h, W2_l, b2, W2_r, relu=False)
    return out[:N]

# --- scband reference (transcript-rebuilt; emitter-appended) ---
"""Pipeline reference for scband-graph-sage-40578851013001 (READ-ONLY COPY).

The authoritative reference and input builder live on the scoring server;
editing this copy changes nothing except your own understanding.
"""

import jax, jax.numpy as jnp
import numpy as np

N = 10000
E = 320000
IN_F = 128
HID_F = 128
OUT_F = 121


def setup_inputs(seed: int = 0) -> dict:
    key = jax.random.key(seed)
    ks = jax.random.split(key, 8)
    x = jax.random.normal(ks[0], (N, IN_F), dtype=jnp.float32)
    edge_index = jax.random.randint(ks[1], (2, E), 0, N, dtype=jnp.int32)
    # SAGEConv params: lin_l (applied to aggregated neighbors, has bias), lin_r (applied to root, no bias)
    W1_l = jax.random.normal(ks[2], (HID_F, IN_F), dtype=jnp.float32) * (1.0 / np.sqrt(IN_F))
    b1 = jnp.zeros((HID_F,), dtype=jnp.float32)
    W1_r = jax.random.normal(ks[3], (HID_F, IN_F), dtype=jnp.float32) * (1.0 / np.sqrt(IN_F))
    W2_l = jax.random.normal(ks[4], (OUT_F, HID_F), dtype=jnp.float32) * (1.0 / np.sqrt(HID_F))
    b2 = jnp.zeros((OUT_F,), dtype=jnp.float32)
    W2_r = jax.random.normal(ks[5], (OUT_F, HID_F), dtype=jnp.float32) * (1.0 / np.sqrt(HID_F))
    return {"x": x, "edge_index": edge_index, "W1_l": W1_l, "b1": b1, "W1_r": W1_r,
            "W2_l": W2_l, "b2": b2, "W2_r": W2_r}


def _sage_conv(x, edge_index, W_l, b_l, W_r):
    # PyG SAGEConv with mean aggregation: out_i = W_l @ mean_{j->i} x_j + b_l + W_r @ x_i
    src = edge_index[0]
    dst = edge_index[1]
    msgs = jnp.take(x, src, axis=0)                                  # gather [E, d]
    summed = jax.ops.segment_sum(msgs, dst, num_segments=N)          # scatter-add [N, d]
    cnt = jax.ops.segment_sum(jnp.ones((edge_index.shape[1],), x.dtype), dst, num_segments=N)
    mean = summed / jnp.clip(cnt, 1.0)[:, None]
    return mean @ W_l.T + b_l + x @ W_r.T


def reference(x, edge_index, W1_l, b1, W1_r, W2_l, b2, W2_r):
    h = _sage_conv(x, edge_index, W1_l, b1, W1_r)
    h = jax.nn.relu(h)
    # dropout is identity in eval mode
    out = _sage_conv(h, edge_index, W2_l, b2, W2_r)
    return out

if __name__ == "__main__":
    import jax
    _d = setup_inputs()
    print(jax.jit(kernel)(*tuple(_d.values())))

</pallas_src>

<mosaic_0001>
#map = affine_map<(d0, d1) -> (0, 0)>
#map1 = affine_map<(d0, d1) -> (0)>
#map2 = affine_map<(d0, d1) -> (0, 0, 0)>
module attributes {stable_mosaic.version = 14 : i64} {
  func.func @_sc_agg(%arg0: i32, %arg1: i32, %arg2: memref<10240x128xf32, #tpu.memory_space<hbm>>, %arg3: memref<320000xi32, #tpu.memory_space<hbm>>, %arg4: memref<320000xi32, #tpu.memory_space<hbm>>, %arg5: memref<10240x128xf32, #tpu.memory_space<hbm>>, %arg6: memref<2x10240x128xf32, #tpu.memory_space<hbm>>, %arg7: memref<80xi32, #tpu.memory_space<vmem>>, %arg8: memref<80xi32, #tpu.memory_space<vmem>>, %arg9: memref<80xi32, #tpu.memory_space<vmem>>, %arg10: memref<80xi32, #tpu.memory_space<vmem>>, %arg11: memref<80x128xf32, #tpu.memory_space<vmem>>, %arg12: memref<80x128xf32, #tpu.memory_space<vmem>>, %arg13: memref<10240x128xf32, #tpu.memory_space<vmem_shared>>, %arg14: memref<!tpu.dma_semaphore, #tpu.memory_space<semaphore_mem>>, %arg15: memref<!tpu.dma_semaphore, #tpu.memory_space<semaphore_mem>>) attributes {dimension_semantics = [#tpu.dimension_semantics<core_parallel>, #tpu.dimension_semantics<subcore_parallel>], iteration_bounds = array<i64: 2, 16>, scalar_prefetch = 0 : i64, scratch_operands = 9 : i64, tpu.core_type = #tpu.core_type<sc_vector_subcore>, window_params = [{transform_indices = #map}, {transform_indices = #map1}, {transform_indices = #map1}, {transform_indices = #map}, {transform_indices = #map2}]} {
    %mul3A = arith.constant 16 : i32
    %mul3A_0 = arith.muli %arg0, %mul3A : i32
    %add3A = arith.addi %mul3A_0, %arg1 : i32
    %mul3A_1 = arith.constant 640 : i32
    %mul3A_2 = arith.muli %arg1, %mul3A_1 : i32
    %mul3A_3 = arith.constant 640 : i32
    %mul3A_4 = arith.muli %arg1, %mul3A_3 : i32
    "tpu.region"() ({
      %run_scoped3A = tpu.sem_alloc : memref<!tpu.dma_semaphore, #tpu.memory_space<semaphore_mem>>
      %dma_start3A_37 = arith.constant 0 : i32
      %dma_start3A_38 = tpu.memref_slice %arg13[%mul3A_4, %dma_start3A_37] : memref<10240x128xf32, #tpu.memory_space<vmem_shared>> -> memref<640x128xf32, #tpu.memory_space<vmem_shared>>
      %dma_start3A_39 = arith.constant 0 : i32
      %dma_start3A_40 = tpu.memref_slice %arg5[%mul3A_2, %dma_start3A_39] : memref<10240x128xf32, #tpu.memory_space<hbm>> -> memref<640x128xf32, #tpu.memory_space<hbm>>
      tpu.enqueue_dma source(%dma_start3A_40 : memref<640x128xf32, #tpu.memory_space<hbm>>) target(%dma_start3A_38 : memref<640x128xf32, #tpu.memory_space<vmem_shared>>) target_semaphore(%run_scoped3A : memref<!tpu.dma_semaphore, #tpu.memory_space<semaphore_mem>>)
      %dma_wait3A_41 = arith.constant 0 : i32
      %dma_wait3A_42 = tpu.memref_slice %arg13[%mul3A_4, %dma_wait3A_41] : memref<10240x128xf32, #tpu.memory_space<vmem_shared>> -> memref<640x128xf32, #tpu.memory_space<vmem_shared>>
      %dma_wait3A_43 = arith.constant 0 : i32
      %dma_wait3A_44 = tpu.memref_slice %arg5[%mul3A_2, %dma_wait3A_43] : memref<10240x128xf32, #tpu.memory_space<hbm>> -> memref<640x128xf32, #tpu.memory_space<hbm>>
      tpu.wait_dma2 semaphore(%run_scoped3A : memref<!tpu.dma_semaphore, #tpu.memory_space<semaphore_mem>>) src(%dma_wait3A_44 : memref<640x128xf32, #tpu.memory_space<hbm>>) dst(%dma_wait3A_42 : memref<640x128xf32, #tpu.memory_space<vmem_shared>>)
      tpu.yield
    }) : () -> ()
    %barrier3A = arith.constant 0 : index
    tpu.barrier barrier_id(%barrier3A)
    %mul3A_5 = arith.constant 125 : i32
    %mul3A_6 = arith.muli %add3A, %mul3A_5 : i32
    %add3A_7 = arith.constant 0 : i32
    %add3A_8 = arith.addi %mul3A_6, %add3A_7 : i32
    %add3A_9 = arith.constant 125 : i32
    %add3A_10 = arith.addi %mul3A_6, %add3A_9 : i32
    %sub3A = arith.constant 1 : i32
    %sub3A_11 = arith.subi %add3A_10, %sub3A : i32
    %min3A = arith.minsi %add3A_8, %sub3A_11 : i32
    %mul3A_12 = arith.constant 80 : i32
    %mul3A_13 = arith.muli %min3A, %mul3A_12 : i32
    "tpu.region"() ({
      %run_scoped3A = tpu.sem_alloc : memref<!tpu.dma_semaphore, #tpu.memory_space<semaphore_mem>>
      %dma_start3A_37 = tpu.memref_slice %arg3[%mul3A_13] : memref<320000xi32, #tpu.memory_space<hbm>> -> memref<80xi32, #tpu.memory_space<hbm>>
      %dma_start3A_38 = tpu.memref_slice %arg3[%mul3A_13] : memref<320000xi32, #tpu.memory_space<hbm>> -> memref<80xi32, #tpu.memory_space<hbm>>
      tpu.enqueue_dma source(%dma_start3A_38 : memref<80xi32, #tpu.memory_space<hbm>>) target(%arg7 : memref<80xi32, #tpu.memory_space<vmem>>) target_semaphore(%run_scoped3A : memref<!tpu.dma_semaphore, #tpu.memory_space<semaphore_mem>>)
      %dma_wait3A_39 = tpu.memref_slice %arg3[%mul3A_13] : memref<320000xi32, #tpu.memory_space<hbm>> -> memref<80xi32, #tpu.memory_space<hbm>>
      %dma_wait3A_40 = tpu.memref_slice %arg3[%mul3A_13] : memref<320000xi32, #tpu.memory_space<hbm>> -> memref<80xi32, #tpu.memory_space<hbm>>
      tpu.wait_dma2 semaphore(%run_scoped3A : memref<!tpu.dma_semaphore, #tpu.memory_space<semaphore_mem>>) src(%dma_wait3A_40 : memref<80xi32, #tpu.memory_space<hbm>>) dst(%arg7 : memref<80xi32, #tpu.memory_space<vmem>>)
      tpu.yield
    }) : () -> ()
    "tpu.region"() ({
      %run_scoped3A = tpu.sem_alloc : memref<!tpu.dma_semaphore, #tpu.memory_space<semaphore_mem>>
      %dma_start3A_37 = tpu.memref_slice %arg4[%mul3A_13] : memref<320000xi32, #tpu.memory_space<hbm>> -> memref<80xi32, #tpu.memory_space<hbm>>
      %dma_start3A_38 = tpu.memref_slice %arg4[%mul3A_13] : memref<320000xi32, #tpu.memory_space<hbm>> -> memref<80xi32, #tpu.memory_space<hbm>>
      tpu.enqueue_dma source(%dma_start3A_38 : memref<80xi32, #tpu.memory_space<hbm>>) target(%arg8 : memref<80xi32, #tpu.memory_space<vmem>>) target_semaphore(%run_scoped3A : memref<!tpu.dma_semaphore, #tpu.memory_space<semaphore_mem>>)
      %dma_wait3A_39 = tpu.memref_slice %arg4[%mul3A_13] : memref<320000xi32, #tpu.memory_space<hbm>> -> memref<80xi32, #tpu.memory_space<hbm>>
      %dma_wait3A_40 = tpu.memref_slice %arg4[%mul3A_13] : memref<320000xi32, #tpu.memory_space<hbm>> -> memref<80xi32, #tpu.memory_space<hbm>>
      tpu.wait_dma2 semaphore(%run_scoped3A : memref<!tpu.dma_semaphore, #tpu.memory_space<semaphore_mem>>) src(%dma_wait3A_40 : memref<80xi32, #tpu.memory_space<hbm>>) dst(%arg8 : memref<80xi32, #tpu.memory_space<vmem>>)
      tpu.yield
    }) : () -> ()
    %dma_start3A = arith.constant 0 : i32
    %dma_start3A_14 = arith.constant 0 : i32
    %dma_start3A_15 = tpu.memref_slice %arg2[%dma_start3A, %dma_start3A_14] : memref<10240x128xf32, #tpu.memory_space<hbm>> -> memref<10240x128xf32, #tpu.memory_space<hbm>>
    tpu.enqueue_indirect_dma source(%dma_start3A_15 : memref<10240x128xf32, #tpu.memory_space<hbm>>) target(%arg11 : memref<80x128xf32, #tpu.memory_space<vmem>>) offsets(%arg7 : memref<80xi32, #tpu.memory_space<vmem>>) semaphore(%arg14 : memref<!tpu.dma_semaphore, #tpu.memory_space<semaphore_mem>>)
    %add3A_16 = arith.constant 1 : i32
    %add3A_17 = arith.addi %mul3A_6, %add3A_16 : i32
    %add3A_18 = arith.constant 125 : i32
    %add3A_19 = arith.addi %mul3A_6, %add3A_18 : i32
    %sub3A_20 = arith.constant 1 : i32
    %sub3A_21 = arith.subi %add3A_19, %sub3A_20 : i32
    %min3A_22 = arith.minsi %add3A_17, %sub3A_21 : i32
    %mul3A_23 = arith.constant 80 : i32
    %mul3A_24 = arith.muli %min3A_22, %mul3A_23 : i32
    "tpu.region"() ({
      %run_scoped3A = tpu.sem_alloc : memref<!tpu.dma_semaphore, #tpu.memory_space<semaphore_mem>>
      %dma_start3A_37 = tpu.memref_slice %arg3[%mul3A_24] : memref<320000xi32, #tpu.memory_space<hbm>> -> memref<80xi32, #tpu.memory_space<hbm>>
      %dma_start3A_38 = tpu.memref_slice %arg3[%mul3A_24] : memref<320000xi32, #tpu.memory_space<hbm>> -> memref<80xi32, #tpu.memory_space<hbm>>
      tpu.enqueue_dma source(%dma_start3A_38 : memref<80xi32, #tpu.memory_space<hbm>>) target(%arg9 : memref<80xi32, #tpu.memory_space<vmem>>) target_semaphore(%run_scoped3A : memref<!tpu.dma_semaphore, #tpu.memory_space<semaphore_mem>>)
      %dma_wait3A_39 = tpu.memref_slice %arg3[%mul3A_24] : memref<320000xi32, #tpu.memory_space<hbm>> -> memref<80xi32, #tpu.memory_space<hbm>>
      %dma_wait3A_40 = tpu.memref_slice %arg3[%mul3A_24] : memref<320000xi32, #tpu.memory_space<hbm>> -> memref<80xi32, #tpu.memory_space<hbm>>
      tpu.wait_dma2 semaphore(%run_scoped3A : memref<!tpu.dma_semaphore, #tpu.memory_space<semaphore_mem>>) src(%dma_wait3A_40 : memref<80xi32, #tpu.memory_space<hbm>>) dst(%arg9 : memref<80xi32, #tpu.memory_space<vmem>>)
      tpu.yield
    }) : () -> ()
    "tpu.region"() ({
      %run_scoped3A = tpu.sem_alloc : memref<!tpu.dma_semaphore, #tpu.memory_space<semaphore_mem>>
      %dma_start3A_37 = tpu.memref_slice %arg4[%mul3A_24] : memref<320000xi32, #tpu.memory_space<hbm>> -> memref<80xi32, #tpu.memory_space<hbm>>
      %dma_start3A_38 = tpu.memref_slice %arg4[%mul3A_24] : memref<320000xi32, #tpu.memory_space<hbm>> -> memref<80xi32, #tpu.memory_space<hbm>>
      tpu.enqueue_dma source(%dma_start3A_38 : memref<80xi32, #tpu.memory_space<hbm>>) target(%arg10 : memref<80xi32, #tpu.memory_space<vmem>>) target_semaphore(%run_scoped3A : memref<!tpu.dma_semaphore, #tpu.memory_space<semaphore_mem>>)
      %dma_wait3A_39 = tpu.memref_slice %arg4[%mul3A_24] : memref<320000xi32, #tpu.memory_space<hbm>> -> memref<80xi32, #tpu.memory_space<hbm>>
      %dma_wait3A_40 = tpu.memref_slice %arg4[%mul3A_24] : memref<320000xi32, #tpu.memory_space<hbm>> -> memref<80xi32, #tpu.memory_space<hbm>>
      tpu.wait_dma2 semaphore(%run_scoped3A : memref<!tpu.dma_semaphore, #tpu.memory_space<semaphore_mem>>) src(%dma_wait3A_40 : memref<80xi32, #tpu.memory_space<hbm>>) dst(%arg10 : memref<80xi32, #tpu.memory_space<vmem>>)
      tpu.yield
    }) : () -> ()
    %scan3A = arith.constant 0 : i32
    %scan3A_25 = arith.constant 0 : i32
    %scan3A_26 = arith.constant 62 : i32
    %scan3A_27 = arith.addi %scan3A_25, %scan3A_26 : i32
    %scan3A_28 = arith.constant 1 : i32
    scf.for %scan3A_37 = %scan3A_25 to %scan3A_27 step %scan3A_28  : i32 {
      %mul3A_38 = arith.constant 2 : i32
      %mul3A_39 = arith.muli %mul3A_38, %scan3A_37 : i32
      %dma_start3A_40 = arith.constant 0 : i32
      %dma_start3A_41 = arith.constant 0 : i32
      %dma_start3A_42 = tpu.memref_slice %arg2[%dma_start3A_40, %dma_start3A_41] : memref<10240x128xf32, #tpu.memory_space<hbm>> -> memref<10240x128xf32, #tpu.memory_space<hbm>>
      tpu.enqueue_indirect_dma source(%dma_start3A_42 : memref<10240x128xf32, #tpu.memory_space<hbm>>) target(%arg12 : memref<80x128xf32, #tpu.memory_space<vmem>>) offsets(%arg9 : memref<80xi32, #tpu.memory_space<vmem>>) semaphore(%arg15 : memref<!tpu.dma_semaphore, #tpu.memory_space<semaphore_mem>>)
      %dma_wait3A_43 = arith.constant 0 : i32
      %dma_wait3A_44 = arith.constant 0 : i32
      %dma_wait3A_45 = tpu.memref_slice %arg2[%dma_wait3A_43, %dma_wait3A_44] : memref<10240x128xf32, #tpu.memory_space<hbm>> -> memref<10240x128xf32, #tpu.memory_space<hbm>>
      tpu.wait_indirect_dma semaphore(%arg14 : memref<!tpu.dma_semaphore, #tpu.memory_space<semaphore_mem>>) src(%dma_wait3A_45 : memref<10240x128xf32, #tpu.memory_space<hbm>>) dst(%arg11 : memref<80x128xf32, #tpu.memory_space<vmem>>)
      "tpu.region"() ({
        %run_scoped3A = tpu.sem_alloc : memref<!tpu.dma_semaphore, #tpu.memory_space<semaphore_mem>>
        %dma_start3A_72 = arith.constant 0 : i32
        %dma_start3A_73 = arith.constant 0 : i32
        %dma_start3A_74 = tpu.memref_slice %arg13[%dma_start3A_72, %dma_start3A_73] : memref<10240x128xf32, #tpu.memory_space<vmem_shared>> -> memref<10240x128xf32, #tpu.memory_space<vmem_shared>>
        tpu.enqueue_indirect_dma source(%arg11 : memref<80x128xf32, #tpu.memory_space<vmem>>) target(%dma_start3A_74 : memref<10240x128xf32, #tpu.memory_space<vmem_shared>>) offsets(%arg8 : memref<80xi32, #tpu.memory_space<vmem>>) semaphore(%run_scoped3A : memref<!tpu.dma_semaphore, #tpu.memory_space<semaphore_mem>>) {add = true}
        %dma_wait3A_75 = arith.constant 0 : i32
        %dma_wait3A_76 = arith.constant 0 : i32
        %dma_wait3A_77 = tpu.memref_slice %arg13[%dma_wait3A_75, %dma_wait3A_76] : memref<10240x128xf32, #tpu.memory_space<vmem_shared>> -> memref<10240x128xf32, #tpu.memory_space<vmem_shared>>
        tpu.wait_indirect_dma semaphore(%run_scoped3A : memref<!tpu.dma_semaphore, #tpu.memory_space<semaphore_mem>>) src(%arg11 : memref<80x128xf32, #tpu.memory_space<vmem>>) dst(%dma_wait3A_77 : memref<10240x128xf32, #tpu.memory_space<vmem_shared>>)
        tpu.yield
      }) : () -> ()
      %add3A_46 = arith.constant 2 : i32
      %add3A_47 = arith.addi %mul3A_39, %add3A_46 : i32
      %add3A_48 = arith.addi %mul3A_6, %add3A_47 : i32
      %add3A_49 = arith.constant 125 : i32
      %add3A_50 = arith.addi %mul3A_6, %add3A_49 : i32
      %sub3A_51 = arith.constant 1 : i32
      %sub3A_52 = arith.subi %add3A_50, %sub3A_51 : i32
      %min3A_53 = arith.minsi %add3A_48, %sub3A_52 : i32
      %mul3A_54 = arith.constant 80 : i32
      %mul3A_55 = arith.muli %min3A_53, %mul3A_54 : i32
      "tpu.region"() ({
        %run_scoped3A = tpu.sem_alloc : memref<!tpu.dma_semaphore, #tpu.memory_space<semaphore_mem>>
        %dma_start3A_72 = tpu.memref_slice %arg3[%mul3A_55] : memref<320000xi32, #tpu.memory_space<hbm>> -> memref<80xi32, #tpu.memory_space<hbm>>
        %dma_start3A_73 = tpu.memref_slice %arg3[%mul3A_55] : memref<320000xi32, #tpu.memory_space<hbm>> -> memref<80xi32, #tpu.memory_space<hbm>>
        tpu.enqueue_dma source(%dma_start3A_73 : memref<80xi32, #tpu.memory_space<hbm>>) target(%arg7 : memref<80xi32, #tpu.memory_space<vmem>>) target_semaphore(%run_scoped3A : memref<!tpu.dma_semaphore, #tpu.memory_space<semaphore_mem>>)
        %dma_wait3A_74 = tpu.memref_slice %arg3[%mul3A_55] : memref<320000xi32, #tpu.memory_space<hbm>> -> memref<80xi32, #tpu.memory_space<hbm>>
        %dma_wait3A_75 = tpu.memref_slice %arg3[%mul3A_55] : memref<320000xi32, #tpu.memory_space<hbm>> -> memref<80xi32, #tpu.memory_space<hbm>>
        tpu.wait_dma2 semaphore(%run_scoped3A : memref<!tpu.dma_semaphore, #tpu.memory_space<semaphore_mem>>) src(%dma_wait3A_75 : memref<80xi32, #tpu.memory_space<hbm>>) dst(%arg7 : memref<80xi32, #tpu.memory_space<vmem>>)
        tpu.yield
      }) : () -> ()
      "tpu.region"() ({
        %run_scoped3A = tpu.sem_alloc : memref<!tpu.dma_semaphore, #tpu.memory_space<semaphore_mem>>
        %dma_start3A_72 = tpu.memref_slice %arg4[%mul3A_55] : memref<320000xi32, #tpu.memory_space<hbm>> -> memref<80xi32, #tpu.memory_space<hbm>>
        %dma_start3A_73 = tpu.memref_slice %arg4[%mul3A_55] : memref<320000xi32, #tpu.memory_space<hbm>> -> memref<80xi32, #tpu.memory_space<hbm>>
        tpu.enqueue_dma source(%dma_start3A_73 : memref<80xi32, #tpu.memory_space<hbm>>) target(%arg8 : memref<80xi32, #tpu.memory_space<vmem>>) target_semaphore(%run_scoped3A : memref<!tpu.dma_semaphore, #tpu.memory_space<semaphore_mem>>)
        %dma_wait3A_74 = tpu.memref_slice %arg4[%mul3A_55] : memref<320000xi32, #tpu.memory_space<hbm>> -> memref<80xi32, #tpu.memory_space<hbm>>
        %dma_wait3A_75 = tpu.memref_slice %arg4[%mul3A_55] : memref<320000xi32, #tpu.memory_space<hbm>> -> memref<80xi32, #tpu.memory_space<hbm>>
        tpu.wait_dma2 semaphore(%run_scoped3A : memref<!tpu.dma_semaphore, #tpu.memory_space<semaphore_mem>>) src(%dma_wait3A_75 : memref<80xi32, #tpu.memory_space<hbm>>) dst(%arg8 : memref<80xi32, #tpu.memory_space<vmem>>)
        tpu.yield
      }) : () -> ()
      %dma_start3A_56 = arith.constant 0 : i32
      %dma_start3A_57 = arith.constant 0 : i32
      %dma_start3A_58 = tpu.memref_slice %arg2[%dma_start3A_56, %dma_start3A_57] : memref<10240x128xf32, #tpu.memory_space<hbm>> -> memref<10240x128xf32, #tpu.memory_space<hbm>>
      tpu.enqueue_indirect_dma source(%dma_start3A_58 : memref<10240x128xf32, #tpu.memory_space<hbm>>) target(%arg11 : memref<80x128xf32, #tpu.memory_space<vmem>>) offsets(%arg7 : memref<80xi32, #tpu.memory_space<vmem>>) semaphore(%arg14 : memref<!tpu.dma_semaphore, #tpu.memory_space<semaphore_mem>>)
      %dma_wait3A_59 = arith.constant 0 : i32
      %dma_wait3A_60 = arith.constant 0 : i32
      %dma_wait3A_61 = tpu.memref_slice %arg2[%dma_wait3A_59, %dma_wait3A_60] : memref<10240x128xf32, #tpu.memory_space<hbm>> -> memref<10240x128xf32, #tpu.memory_space<hbm>>
      tpu.wait_indirect_dma semaphore(%arg15 : memref<!tpu.dma_semaphore, #tpu.memory_space<semaphore_mem>>) src(%dma_wait3A_61 : memref<10240x128xf32, #tpu.memory_space<hbm>>) dst(%arg12 : memref<80x128xf32, #tpu.memory_space<vmem>>)
      "tpu.region"() ({
        %run_scoped3A = tpu.sem_alloc : memref<!tpu.dma_semaphore, #tpu.memory_space<semaphore_mem>>
        %dma_start3A_72 = arith.constant 0 : i32
        %dma_start3A_73 = arith.constant 0 : i32
        %dma_start3A_74 = tpu.memref_slice %arg13[%dma_start3A_72, %dma_start3A_73] : memref<10240x128xf32, #tpu.memory_space<vmem_shared>> -> memref<10240x128xf32, #tpu.memory_space<vmem_shared>>
        tpu.enqueue_indirect_dma source(%arg12 : memref<80x128xf32, #tpu.memory_space<vmem>>) target(%dma_start3A_74 : memref<10240x128xf32, #tpu.memory_space<vmem_shared>>) offsets(%arg10 : memref<80xi32, #tpu.memory_space<vmem>>) semaphore(%run_scoped3A : memref<!tpu.dma_semaphore, #tpu.memory_space<semaphore_mem>>) {add = true}
        %dma_wait3A_75 = arith.constant 0 : i32
        %dma_wait3A_76 = arith.constant 0 : i32
        %dma_wait3A_77 = tpu.memref_slice %arg13[%dma_wait3A_75, %dma_wait3A_76] : memref<10240x128xf32, #tpu.memory_space<vmem_shared>> -> memref<10240x128xf32, #tpu.memory_space<vmem_shared>>
        tpu.wait_indirect_dma semaphore(%run_scoped3A : memref<!tpu.dma_semaphore, #tpu.memory_space<semaphore_mem>>) src(%arg12 : memref<80x128xf32, #tpu.memory_space<vmem>>) dst(%dma_wait3A_77 : memref<10240x128xf32, #tpu.memory_space<vmem_shared>>)
        tpu.yield
      }) : () -> ()
      %add3A_62 = arith.constant 3 : i32
      %add3A_63 = arith.addi %mul3A_39, %add3A_62 : i32
      %add3A_64 = arith.addi %mul3A_6, %add3A_63 : i32
      %add3A_65 = arith.constant 125 : i32
      %add3A_66 = arith.addi %mul3A_6, %add3A_65 : i32
      %sub3A_67 = arith.constant 1 : i32
      %sub3A_68 = arith.subi %add3A_66, %sub3A_67 : i32
      %min3A_69 = arith.minsi %add3A_64, %sub3A_68 : i32
      %mul3A_70 = arith.constant 80 : i32
      %mul3A_71 = arith.muli %min3A_69, %mul3A_70 : i32
      "tpu.region"() ({
        %run_scoped3A = tpu.sem_alloc : memref<!tpu.dma_semaphore, #tpu.memory_space<semaphore_mem>>
        %dma_start3A_72 = tpu.memref_slice %arg3[%mul3A_71] : memref<320000xi32, #tpu.memory_space<hbm>> -> memref<80xi32, #tpu.memory_space<hbm>>
        %dma_start3A_73 = tpu.memref_slice %arg3[%mul3A_71] : memref<320000xi32, #tpu.memory_space<hbm>> -> memref<80xi32, #tpu.memory_space<hbm>>
        tpu.enqueue_dma source(%dma_start3A_73 : memref<80xi32, #tpu.memory_space<hbm>>) target(%arg9 : memref<80xi32, #tpu.memory_space<vmem>>) target_semaphore(%run_scoped3A : memref<!tpu.dma_semaphore, #tpu.memory_space<semaphore_mem>>)
        %dma_wait3A_74 = tpu.memref_slice %arg3[%mul3A_71] : memref<320000xi32, #tpu.memory_space<hbm>> -> memref<80xi32, #tpu.memory_space<hbm>>
        %dma_wait3A_75 = tpu.memref_slice %arg3[%mul3A_71] : memref<320000xi32, #tpu.memory_space<hbm>> -> memref<80xi32, #tpu.memory_space<hbm>>
        tpu.wait_dma2 semaphore(%run_scoped3A : memref<!tpu.dma_semaphore, #tpu.memory_space<semaphore_mem>>) src(%dma_wait3A_75 : memref<80xi32, #tpu.memory_space<hbm>>) dst(%arg9 : memref<80xi32, #tpu.memory_space<vmem>>)
        tpu.yield
      }) : () -> ()
      "tpu.region"() ({
        %run_scoped3A = tpu.sem_alloc : memref<!tpu.dma_semaphore, #tpu.memory_space<semaphore_mem>>
        %dma_start3A_72 = tpu.memref_slice %arg4[%mul3A_71] : memref<320000xi32, #tpu.memory_space<hbm>> -> memref<80xi32, #tpu.memory_space<hbm>>
        %dma_start3A_73 = tpu.memref_slice %arg4[%mul3A_71] : memref<320000xi32, #tpu.memory_space<hbm>> -> memref<80xi32, #tpu.memory_space<hbm>>
        tpu.enqueue_dma source(%dma_start3A_73 : memref<80xi32, #tpu.memory_space<hbm>>) target(%arg10 : memref<80xi32, #tpu.memory_space<vmem>>) target_semaphore(%run_scoped3A : memref<!tpu.dma_semaphore, #tpu.memory_space<semaphore_mem>>)
        %dma_wait3A_74 = tpu.memref_slice %arg4[%mul3A_71] : memref<320000xi32, #tpu.memory_space<hbm>> -> memref<80xi32, #tpu.memory_space<hbm>>
        %dma_wait3A_75 = tpu.memref_slice %arg4[%mul3A_71] : memref<320000xi32, #tpu.memory_space<hbm>> -> memref<80xi32, #tpu.memory_space<hbm>>
        tpu.wait_dma2 semaphore(%run_scoped3A : memref<!tpu.dma_semaphore, #tpu.memory_space<semaphore_mem>>) src(%dma_wait3A_75 : memref<80xi32, #tpu.memory_space<hbm>>) dst(%arg10 : memref<80xi32, #tpu.memory_space<vmem>>)
        tpu.yield
      }) : () -> ()
    }
    %scan3A_29 = arith.constant 62 : i32
    %dma_wait3A = arith.constant 0 : i32
    %dma_wait3A_30 = arith.constant 0 : i32
    %dma_wait3A_31 = tpu.memref_slice %arg2[%dma_wait3A, %dma_wait3A_30] : memref<10240x128xf32, #tpu.memory_space<hbm>> -> memref<10240x128xf32, #tpu.memory_space<hbm>>
    tpu.wait_indirect_dma semaphore(%arg14 : memref<!tpu.dma_semaphore, #tpu.memory_space<semaphore_mem>>) src(%dma_wait3A_31 : memref<10240x128xf32, #tpu.memory_space<hbm>>) dst(%arg11 : memref<80x128xf32, #tpu.memory_space<vmem>>)
    "tpu.region"() ({
      %run_scoped3A = tpu.sem_alloc : memref<!tpu.dma_semaphore, #tpu.memory_space<semaphore_mem>>
      %dma_start3A_37 = arith.constant 0 : i32
      %dma_start3A_38 = arith.constant 0 : i32
      %dma_start3A_39 = tpu.memref_slice %arg13[%dma_start3A_37, %dma_start3A_38] : memref<10240x128xf32, #tpu.memory_space<vmem_shared>> -> memref<10240x128xf32, #tpu.memory_space<vmem_shared>>
      tpu.enqueue_indirect_dma source(%arg11 : memref<80x128xf32, #tpu.memory_space<vmem>>) target(%dma_start3A_39 : memref<10240x128xf32, #tpu.memory_space<vmem_shared>>) offsets(%arg8 : memref<80xi32, #tpu.memory_space<vmem>>) semaphore(%run_scoped3A : memref<!tpu.dma_semaphore, #tpu.memory_space<semaphore_mem>>) {add = true}
      %dma_wait3A_40 = arith.constant 0 : i32
      %dma_wait3A_41 = arith.constant 0 : i32
      %dma_wait3A_42 = tpu.memref_slice %arg13[%dma_wait3A_40, %dma_wait3A_41] : memref<10240x128xf32, #tpu.memory_space<vmem_shared>> -> memref<10240x128xf32, #tpu.memory_space<vmem_shared>>
      tpu.wait_indirect_dma semaphore(%run_scoped3A : memref<!tpu.dma_semaphore, #tpu.memory_space<semaphore_mem>>) src(%arg11 : memref<80x128xf32, #tpu.memory_space<vmem>>) dst(%dma_wait3A_42 : memref<10240x128xf32, #tpu.memory_space<vmem_shared>>)
      tpu.yield
    }) : () -> ()
    %barrier3A_32 = arith.constant 0 : index
    tpu.barrier barrier_id(%barrier3A_32)
    %mul3A_33 = arith.constant 640 : i32
    %mul3A_34 = arith.muli %arg1, %mul3A_33 : i32
    %mul3A_35 = arith.constant 640 : i32
    %mul3A_36 = arith.muli %arg1, %mul3A_35 : i32
    "tpu.region"() ({
      %run_scoped3A = tpu.sem_alloc : memref<!tpu.dma_semaphore, #tpu.memory_space<semaphore_mem>>
      %dma_start3A_37 = arith.constant 0 : i32
      %dma_start3A_38 = tpu.memref_slice %arg6[%arg0, %mul3A_36, %dma_start3A_37] : memref<2x10240x128xf32, #tpu.memory_space<hbm>> -> memref<1x640x128xf32, #tpu.memory_space<hbm>>
      %dma_start3A_39 = tpu.memref_squeeze %dma_start3A_38 : memref<1x640x128xf32, #tpu.memory_space<hbm>> -> memref<640x128xf32, #tpu.memory_space<hbm>>
      %dma_start3A_40 = arith.constant 0 : i32
      %dma_start3A_41 = tpu.memref_slice %arg13[%mul3A_34, %dma_start3A_40] : memref<10240x128xf32, #tpu.memory_space<vmem_shared>> -> memref<640x128xf32, #tpu.memory_space<vmem_shared>>
      tpu.enqueue_dma source(%dma_start3A_41 : memref<640x128xf32, #tpu.memory_space<vmem_shared>>) target(%dma_start3A_39 : memref<640x128xf32, #tpu.memory_space<hbm>>) target_semaphore(%run_scoped3A : memref<!tpu.dma_semaphore, #tpu.memory_space<semaphore_mem>>)
      %dma_wait3A_42 = arith.constant 0 : i32
      %dma_wait3A_43 = tpu.memref_slice %arg6[%arg0, %mul3A_36, %dma_wait3A_42] : memref<2x10240x128xf32, #tpu.memory_space<hbm>> -> memref<1x640x128xf32, #tpu.memory_space<hbm>>
      %dma_wait3A_44 = tpu.memref_squeeze %dma_wait3A_43 : memref<1x640x128xf32, #tpu.memory_space<hbm>> -> memref<640x128xf32, #tpu.memory_space<hbm>>
      %dma_wait3A_45 = arith.constant 0 : i32
      %dma_wait3A_46 = tpu.memref_slice %arg13[%mul3A_34, %dma_wait3A_45] : memref<10240x128xf32, #tpu.memory_space<vmem_shared>> -> memref<640x128xf32, #tpu.memory_space<vmem_shared>>
      tpu.wait_dma2 semaphore(%run_scoped3A : memref<!tpu.dma_semaphore, #tpu.memory_space<semaphore_mem>>) src(%dma_wait3A_46 : memref<640x128xf32, #tpu.memory_space<vmem_shared>>) dst(%dma_wait3A_44 : memref<640x128xf32, #tpu.memory_space<hbm>>)
      tpu.yield
    }) : () -> ()
    return
  }
}

#map = affine_map<(d0, d1) -> (0, 0)>
#map1 = affine_map<(d0, d1) -> (0)>
#map2 = affine_map<(d0, d1) -> (0, 0, 0)>
module attributes {stable_mosaic.version = 14 : i64} {
  func.func @_sc_agg(%arg0: i32, %arg1: i32, %arg2: memref<10240x128xf32, #tpu.memory_space<hbm>>, %arg3: memref<320000xi32, #tpu.memory_space<hbm>>, %arg4: memref<320000xi32, #tpu.memory_space<hbm>>, %arg5: memref<10240x128xf32, #tpu.memory_space<hbm>>, %arg6: memref<2x10240x128xf32, #tpu.memory_space<hbm>>, %arg7: memref<80xi32, #tpu.memory_space<vmem>>, %arg8: memref<80xi32, #tpu.memory_space<vmem>>, %arg9: memref<80xi32, #tpu.memory_space<vmem>>, %arg10: memref<80xi32, #tpu.memory_space<vmem>>, %arg11: memref<80x128xf32, #tpu.memory_space<vmem>>, %arg12: memref<80x128xf32, #tpu.memory_space<vmem>>, %arg13: memref<10240x128xf32, #tpu.memory_space<vmem_shared>>, %arg14: memref<!tpu.dma_semaphore, #tpu.memory_space<semaphore_mem>>, %arg15: memref<!tpu.dma_semaphore, #tpu.memory_space<semaphore_mem>>) attributes {dimension_semantics = [#tpu.dimension_semantics<core_parallel>, #tpu.dimension_semantics<subcore_parallel>], iteration_bounds = array<i64: 2, 16>, scalar_prefetch = 0 : i64, scratch_operands = 9 : i64, tpu.core_type = #tpu.core_type<sc_vector_subcore>, window_params = [{transform_indices = #map}, {transform_indices = #map1}, {transform_indices = #map1}, {transform_indices = #map}, {transform_indices = #map2}]} {
    %mul3A = arith.constant 16 : i32
    %mul3A_0 = arith.muli %arg0, %mul3A : i32
    %add3A = arith.addi %mul3A_0, %arg1 : i32
    %mul3A_1 = arith.constant 640 : i32
    %mul3A_2 = arith.muli %arg1, %mul3A_1 : i32
    %mul3A_3 = arith.constant 640 : i32
    %mul3A_4 = arith.muli %arg1, %mul3A_3 : i32
    "tpu.region"() ({
      %run_scoped3A = tpu.sem_alloc : memref<!tpu.dma_semaphore, #tpu.memory_space<semaphore_mem>>
      %dma_start3A_37 = arith.constant 0 : i32
      %dma_start3A_38 = tpu.memref_slice %arg13[%mul3A_4, %dma_start3A_37] : memref<10240x128xf32, #tpu.memory_space<vmem_shared>> -> memref<640x128xf32, #tpu.memory_space<vmem_shared>>
      %dma_start3A_39 = arith.constant 0 : i32
      %dma_start3A_40 = tpu.memref_slice %arg5[%mul3A_2, %dma_start3A_39] : memref<10240x128xf32, #tpu.memory_space<hbm>> -> memref<640x128xf32, #tpu.memory_space<hbm>>
      tpu.enqueue_dma source(%dma_start3A_40 : memref<640x128xf32, #tpu.memory_space<hbm>>) target(%dma_start3A_38 : memref<640x128xf32, #tpu.memory_space<vmem_shared>>) target_semaphore(%run_scoped3A : memref<!tpu.dma_semaphore, #tpu.memory_space<semaphore_mem>>)
      %dma_wait3A_41 = arith.constant 0 : i32
      %dma_wait3A_42 = tpu.memref_slice %arg13[%mul3A_4, %dma_wait3A_41] : memref<10240x128xf32, #tpu.memory_space<vmem_shared>> -> memref<640x128xf32, #tpu.memory_space<vmem_shared>>
      %dma_wait3A_43 = arith.constant 0 : i32
      %dma_wait3A_44 = tpu.memref_slice %arg5[%mul3A_2, %dma_wait3A_43] : memref<10240x128xf32, #tpu.memory_space<hbm>> -> memref<640x128xf32, #tpu.memory_space<hbm>>
      tpu.wait_dma2 semaphore(%run_scoped3A : memref<!tpu.dma_semaphore, #tpu.memory_space<semaphore_mem>>) src(%dma_wait3A_44 : memref<640x128xf32, #tpu.memory_space<hbm>>) dst(%dma_wait3A_42 : memref<640x128xf32, #tpu.memory_space<vmem_shared>>)
      tpu.yield
    }) : () -> ()
    %barrier3A = arith.constant 0 : index
    tpu.barrier barrier_id(%barrier3A)
    %mul3A_5 = arith.constant 125 : i32
    %mul3A_6 = arith.muli %add3A, %mul3A_5 : i32
    %add3A_7 = arith.constant 0 : i32
    %add3A_8 = arith.addi %mul3A_6, %add3A_7 : i32
    %add3A_9 = arith.constant 125 : i32
    %add3A_10 = arith.addi %mul3A_6, %add3A_9 : i32
    %sub3A = arith.constant 1 : i32
    %sub3A_11 = arith.subi %add3A_10, %sub3A : i32
    %min3A = arith.minsi %add3A_8, %sub3A_11 : i32
    %mul3A_12 = arith.constant 80 : i32
    %mul3A_13 = arith.muli %min3A, %mul3A_12 : i32
    "tpu.region"() ({
      %run_scoped3A = tpu.sem_alloc : memref<!tpu.dma_semaphore, #tpu.memory_space<semaphore_mem>>
      %dma_start3A_37 = tpu.memref_slice %arg3[%mul3A_13] : memref<320000xi32, #tpu.memory_space<hbm>> -> memref<80xi32, #tpu.memory_space<hbm>>
      %dma_start3A_38 = tpu.memref_slice %arg3[%mul3A_13] : memref<320000xi32, #tpu.memory_space<hbm>> -> memref<80xi32, #tpu.memory_space<hbm>>
      tpu.enqueue_dma source(%dma_start3A_38 : memref<80xi32, #tpu.memory_space<hbm>>) target(%arg7 : memref<80xi32, #tpu.memory_space<vmem>>) target_semaphore(%run_scoped3A : memref<!tpu.dma_semaphore, #tpu.memory_space<semaphore_mem>>)
      %dma_wait3A_39 = tpu.memref_slice %arg3[%mul3A_13] : memref<320000xi32, #tpu.memory_space<hbm>> -> memref<80xi32, #tpu.memory_space<hbm>>
      %dma_wait3A_40 = tpu.memref_slice %arg3[%mul3A_13] : memref<320000xi32, #tpu.memory_space<hbm>> -> memref<80xi32, #tpu.memory_space<hbm>>
      tpu.wait_dma2 semaphore(%run_scoped3A : memref<!tpu.dma_semaphore, #tpu.memory_space<semaphore_mem>>) src(%dma_wait3A_40 : memref<80xi32, #tpu.memory_space<hbm>>) dst(%arg7 : memref<80xi32, #tpu.memory_space<vmem>>)
      tpu.yield
    }) : () -> ()
    "tpu.region"() ({
      %run_scoped3A = tpu.sem_alloc : memref<!tpu.dma_semaphore, #tpu.memory_space<semaphore_mem>>
      %dma_start3A_37 = tpu.memref_slice %arg4[%mul3A_13] : memref<320000xi32, #tpu.memory_space<hbm>> -> memref<80xi32, #tpu.memory_space<hbm>>
      %dma_start3A_38 = tpu.memref_slice %arg4[%mul3A_13] : memref<320000xi32, #tpu.memory_space<hbm>> -> memref<80xi32, #tpu.memory_space<hbm>>
      tpu.enqueue_dma source(%dma_start3A_38 : memref<80xi32, #tpu.memory_space<hbm>>) target(%arg8 : memref<80xi32, #tpu.memory_space<vmem>>) target_semaphore(%run_scoped3A : memref<!tpu.dma_semaphore, #tpu.memory_space<semaphore_mem>>)
      %dma_wait3A_39 = tpu.memref_slice %arg4[%mul3A_13] : memref<320000xi32, #tpu.memory_space<hbm>> -> memref<80xi32, #tpu.memory_space<hbm>>
      %dma_wait3A_40 = tpu.memref_slice %arg4[%mul3A_13] : memref<320000xi32, #tpu.memory_space<hbm>> -> memref<80xi32, #tpu.memory_space<hbm>>
      tpu.wait_dma2 semaphore(%run_scoped3A : memref<!tpu.dma_semaphore, #tpu.memory_space<semaphore_mem>>) src(%dma_wait3A_40 : memref<80xi32, #tpu.memory_space<hbm>>) dst(%arg8 : memref<80xi32, #tpu.memory_space<vmem>>)
      tpu.yield
    }) : () -> ()
    %dma_start3A = arith.constant 0 : i32
    %dma_start3A_14 = arith.constant 0 : i32
    %dma_start3A_15 = tpu.memref_slice %arg2[%dma_start3A, %dma_start3A_14] : memref<10240x128xf32, #tpu.memory_space<hbm>> -> memref<10240x128xf32, #tpu.memory_space<hbm>>
    tpu.enqueue_indirect_dma source(%dma_start3A_15 : memref<10240x128xf32, #tpu.memory_space<hbm>>) target(%arg11 : memref<80x128xf32, #tpu.memory_space<vmem>>) offsets(%arg7 : memref<80xi32, #tpu.memory_space<vmem>>) semaphore(%arg14 : memref<!tpu.dma_semaphore, #tpu.memory_space<semaphore_mem>>)
    %add3A_16 = arith.constant 1 : i32
    %add3A_17 = arith.addi %mul3A_6, %add3A_16 : i32
    %add3A_18 = arith.constant 125 : i32
    %add3A_19 = arith.addi %mul3A_6, %add3A_18 : i32
    %sub3A_20 = arith.constant 1 : i32
    %sub3A_21 = arith.subi %add3A_19, %sub3A_20 : i32
    %min3A_22 = arith.minsi %add3A_17, %sub3A_21 : i32
    %mul3A_23 = arith.constant 80 : i32
    %mul3A_24 = arith.muli %min3A_22, %mul3A_23 : i32
    "tpu.region"() ({
      %run_scoped3A = tpu.sem_alloc : memref<!tpu.dma_semaphore, #tpu.memory_space<semaphore_mem>>
      %dma_start3A_37 = tpu.memref_slice %arg3[%mul3A_24] : memref<320000xi32, #tpu.memory_space<hbm>> -> memref<80xi32, #tpu.memory_space<hbm>>
      %dma_start3A_38 = tpu.memref_slice %arg3[%mul3A_24] : memref<320000xi32, #tpu.memory_space<hbm>> -> memref<80xi32, #tpu.memory_space<hbm>>
      tpu.enqueue_dma source(%dma_start3A_38 : memref<80xi32, #tpu.memory_space<hbm>>) target(%arg9 : memref<80xi32, #tpu.memory_space<vmem>>) target_semaphore(%run_scoped3A : memref<!tpu.dma_semaphore, #tpu.memory_space<semaphore_mem>>)
      %dma_wait3A_39 = tpu.memref_slice %arg3[%mul3A_24] : memref<320000xi32, #tpu.memory_space<hbm>> -> memref<80xi32, #tpu.memory_space<hbm>>
      %dma_wait3A_40 = tpu.memref_slice %arg3[%mul3A_24] : memref<320000xi32, #tpu.memory_space<hbm>> -> memref<80xi32, #tpu.memory_space<hbm>>
      tpu.wait_dma2 semaphore(%run_scoped3A : memref<!tpu.dma_semaphore, #tpu.memory_space<semaphore_mem>>) src(%dma_wait3A_40 : memref<80xi32, #tpu.memory_space<hbm>>) dst(%arg9 : memref<80xi32, #tpu.memory_space<vmem>>)
      tpu.yield
    }) : () -> ()
    "tpu.region"() ({
      %run_scoped3A = tpu.sem_alloc : memref<!tpu.dma_semaphore, #tpu.memory_space<semaphore_mem>>
      %dma_start3A_37 = tpu.memref_slice %arg4[%mul3A_24] : memref<320000xi32, #tpu.memory_space<hbm>> -> memref<80xi32, #tpu.memory_space<hbm>>
      %dma_start3A_38 = tpu.memref_slice %arg4[%mul3A_24] : memref<320000xi32, #tpu.memory_space<hbm>> -> memref<80xi32, #tpu.memory_space<hbm>>
      tpu.enqueue_dma source(%dma_start3A_38 : memref<80xi32, #tpu.memory_space<hbm>>) target(%arg10 : memref<80xi32, #tpu.memory_space<vmem>>) target_semaphore(%run_scoped3A : memref<!tpu.dma_semaphore, #tpu.memory_space<semaphore_mem>>)
      %dma_wait3A_39 = tpu.memref_slice %arg4[%mul3A_24] : memref<320000xi32, #tpu.memory_space<hbm>> -> memref<80xi32, #tpu.memory_space<hbm>>
      %dma_wait3A_40 = tpu.memref_slice %arg4[%mul3A_24] : memref<320000xi32, #tpu.memory_space<hbm>> -> memref<80xi32, #tpu.memory_space<hbm>>
      tpu.wait_dma2 semaphore(%run_scoped3A : memref<!tpu.dma_semaphore, #tpu.memory_space<semaphore_mem>>) src(%dma_wait3A_40 : memref<80xi32, #tpu.memory_space<hbm>>) dst(%arg10 : memref<80xi32, #tpu.memory_space<vmem>>)
      tpu.yield
    }) : () -> ()
    %scan3A = arith.constant 0 : i32
    %scan3A_25 = arith.constant 0 : i32
    %scan3A_26 = arith.constant 62 : i32
    %scan3A_27 = arith.addi %scan3A_25, %scan3A_26 : i32
    %scan3A_28 = arith.constant 1 : i32
    scf.for %scan3A_37 = %scan3A_25 to %scan3A_27 step %scan3A_28  : i32 {
      %mul3A_38 = arith.constant 2 : i32
      %mul3A_39 = arith.muli %mul3A_38, %scan3A_37 : i32
      %dma_start3A_40 = arith.constant 0 : i32
      %dma_start3A_41 = arith.constant 0 : i32
      %dma_start3A_42 = tpu.memref_slice %arg2[%dma_start3A_40, %dma_start3A_41] : memref<10240x128xf32, #tpu.memory_space<hbm>> -> memref<10240x128xf32, #tpu.memory_space<hbm>>
      tpu.enqueue_indirect_dma source(%dma_start3A_42 : memref<10240x128xf32, #tpu.memory_space<hbm>>) target(%arg12 : memref<80x128xf32, #tpu.memory_space<vmem>>) offsets(%arg9 : memref<80xi32, #tpu.memory_space<vmem>>) semaphore(%arg15 : memref<!tpu.dma_semaphore, #tpu.memory_space<semaphore_mem>>)
      %dma_wait3A_43 = arith.constant 0 : i32
      %dma_wait3A_44 = arith.constant 0 : i32
      %dma_wait3A_45 = tpu.memref_slice %arg2[%dma_wait3A_43, %dma_wait3A_44] : memref<10240x128xf32, #tpu.memory_space<hbm>> -> memref<10240x128xf32, #tpu.memory_space<hbm>>
      tpu.wait_indirect_dma semaphore(%arg14 : memref<!tpu.dma_semaphore, #tpu.memory_space<semaphore_mem>>) src(%dma_wait3A_45 : memref<10240x128xf32, #tpu.memory_space<hbm>>) dst(%arg11 : memref<80x128xf32, #tpu.memory_space<vmem>>)
      "tpu.region"() ({
        %run_scoped3A = tpu.sem_alloc : memref<!tpu.dma_semaphore, #tpu.memory_space<semaphore_mem>>
        %dma_start3A_72 = arith.constant 0 : i32
        %dma_start3A_73 = arith.constant 0 : i32
        %dma_start3A_74 = tpu.memref_slice %arg13[%dma_start3A_72, %dma_start3A_73] : memref<10240x128xf32, #tpu.memory_space<vmem_shared>> -> memref<10240x128xf32, #tpu.memory_space<vmem_shared>>
        tpu.enqueue_indirect_dma source(%arg11 : memref<80x128xf32, #tpu.memory_space<vmem>>) target(%dma_start3A_74 : memref<10240x128xf32, #tpu.memory_space<vmem_shared>>) offsets(%arg8 : memref<80xi32, #tpu.memory_space<vmem>>) semaphore(%run_scoped3A : memref<!tpu.dma_semaphore, #tpu.memory_space<semaphore_mem>>) {add = true}
        %dma_wait3A_75 = arith.constant 0 : i32
        %dma_wait3A_76 = arith.constant 0 : i32
        %dma_wait3A_77 = tpu.memref_slice %arg13[%dma_wait3A_75, %dma_wait3A_76] : memref<10240x128xf32, #tpu.memory_space<vmem_shared>> -> memref<10240x128xf32, #tpu.memory_space<vmem_shared>>
        tpu.wait_indirect_dma semaphore(%run_scoped3A : memref<!tpu.dma_semaphore, #tpu.memory_space<semaphore_mem>>) src(%arg11 : memref<80x128xf32, #tpu.memory_space<vmem>>) dst(%dma_wait3A_77 : memref<10240x128xf32, #tpu.memory_space<vmem_shared>>)
        tpu.yield
      }) : () -> ()
      %add3A_46 = arith.constant 2 : i32
      %add3A_47 = arith.addi %mul3A_39, %add3A_46 : i32
      %add3A_48 = arith.addi %mul3A_6, %add3A_47 : i32
      %add3A_49 = arith.constant 125 : i32
      %add3A_50 = arith.addi %mul3A_6, %add3A_49 : i32
      %sub3A_51 = arith.constant 1 : i32
      %sub3A_52 = arith.subi %add3A_50, %sub3A_51 : i32
      %min3A_53 = arith.minsi %add3A_48, %sub3A_52 : i32
      %mul3A_54 = arith.constant 80 : i32
      %mul3A_55 = arith.muli %min3A_53, %mul3A_54 : i32
      "tpu.region"() ({
        %run_scoped3A = tpu.sem_alloc : memref<!tpu.dma_semaphore, #tpu.memory_space<semaphore_mem>>
        %dma_start3A_72 = tpu.memref_slice %arg3[%mul3A_55] : memref<320000xi32, #tpu.memory_space<hbm>> -> memref<80xi32, #tpu.memory_space<hbm>>
        %dma_start3A_73 = tpu.memref_slice %arg3[%mul3A_55] : memref<320000xi32, #tpu.memory_space<hbm>> -> memref<80xi32, #tpu.memory_space<hbm>>
        tpu.enqueue_dma source(%dma_start3A_73 : memref<80xi32, #tpu.memory_space<hbm>>) target(%arg7 : memref<80xi32, #tpu.memory_space<vmem>>) target_semaphore(%run_scoped3A : memref<!tpu.dma_semaphore, #tpu.memory_space<semaphore_mem>>)
        %dma_wait3A_74 = tpu.memref_slice %arg3[%mul3A_55] : memref<320000xi32, #tpu.memory_space<hbm>> -> memref<80xi32, #tpu.memory_space<hbm>>
        %dma_wait3A_75 = tpu.memref_slice %arg3[%mul3A_55] : memref<320000xi32, #tpu.memory_space<hbm>> -> memref<80xi32, #tpu.memory_space<hbm>>
        tpu.wait_dma2 semaphore(%run_scoped3A : memref<!tpu.dma_semaphore, #tpu.memory_space<semaphore_mem>>) src(%dma_wait3A_75 : memref<80xi32, #tpu.memory_space<hbm>>) dst(%arg7 : memref<80xi32, #tpu.memory_space<vmem>>)
        tpu.yield
      }) : () -> ()
      "tpu.region"() ({
        %run_scoped3A = tpu.sem_alloc : memref<!tpu.dma_semaphore, #tpu.memory_space<semaphore_mem>>
        %dma_start3A_72 = tpu.memref_slice %arg4[%mul3A_55] : memref<320000xi32, #tpu.memory_space<hbm>> -> memref<80xi32, #tpu.memory_space<hbm>>
        %dma_start3A_73 = tpu.memref_slice %arg4[%mul3A_55] : memref<320000xi32, #tpu.memory_space<hbm>> -> memref<80xi32, #tpu.memory_space<hbm>>
        tpu.enqueue_dma source(%dma_start3A_73 : memref<80xi32, #tpu.memory_space<hbm>>) target(%arg8 : memref<80xi32, #tpu.memory_space<vmem>>) target_semaphore(%run_scoped3A : memref<!tpu.dma_semaphore, #tpu.memory_space<semaphore_mem>>)
        %dma_wait3A_74 = tpu.memref_slice %arg4[%mul3A_55] : memref<320000xi32, #tpu.memory_space<hbm>> -> memref<80xi32, #tpu.memory_space<hbm>>
        %dma_wait3A_75 = tpu.memref_slice %arg4[%mul3A_55] : memref<320000xi32, #tpu.memory_space<hbm>> -> memref<80xi32, #tpu.memory_space<hbm>>
        tpu.wait_dma2 semaphore(%run_scoped3A : memref<!tpu.dma_semaphore, #tpu.memory_space<semaphore_mem>>) src(%dma_wait3A_75 : memref<80xi32, #tpu.memory_space<hbm>>) dst(%arg8 : memref<80xi32, #tpu.memory_space<vmem>>)
        tpu.yield
      }) : () -> ()
      %dma_start3A_56 = arith.constant 0 : i32
      %dma_start3A_57 = arith.constant 0 : i32
      %dma_start3A_58 = tpu.memref_slice %arg2[%dma_start3A_56, %dma_start3A_57] : memref<10240x128xf32, #tpu.memory_space<hbm>> -> memref<10240x128xf32, #tpu.memory_space<hbm>>
      tpu.enqueue_indirect_dma source(%dma_start3A_58 : memref<10240x128xf32, #tpu.memory_space<hbm>>) target(%arg11 : memref<80x128xf32, #tpu.memory_space<vmem>>) offsets(%arg7 : memref<80xi32, #tpu.memory_space<vmem>>) semaphore(%arg14 : memref<!tpu.dma_semaphore, #tpu.memory_space<semaphore_mem>>)
      %dma_wait3A_59 = arith.constant 0 : i32
      %dma_wait3A_60 = arith.constant 0 : i32
      %dma_wait3A_61 = tpu.memref_slice %arg2[%dma_wait3A_59, %dma_wait3A_60] : memref<10240x128xf32, #tpu.memory_space<hbm>> -> memref<10240x128xf32, #tpu.memory_space<hbm>>
      tpu.wait_indirect_dma semaphore(%arg15 : memref<!tpu.dma_semaphore, #tpu.memory_space<semaphore_mem>>) src(%dma_wait3A_61 : memref<10240x128xf32, #tpu.memory_space<hbm>>) dst(%arg12 : memref<80x128xf32, #tpu.memory_space<vmem>>)
      "tpu.region"() ({
        %run_scoped3A = tpu.sem_alloc : memref<!tpu.dma_semaphore, #tpu.memory_space<semaphore_mem>>
        %dma_start3A_72 = arith.constant 0 : i32
        %dma_start3A_73 = arith.constant 0 : i32
        %dma_start3A_74 = tpu.memref_slice %arg13[%dma_start3A_72, %dma_start3A_73] : memref<10240x128xf32, #tpu.memory_space<vmem_shared>> -> memref<10240x128xf32, #tpu.memory_space<vmem_shared>>
        tpu.enqueue_indirect_dma source(%arg12 : memref<80x128xf32, #tpu.memory_space<vmem>>) target(%dma_start3A_74 : memref<10240x128xf32, #tpu.memory_space<vmem_shared>>) offsets(%arg10 : memref<80xi32, #tpu.memory_space<vmem>>) semaphore(%run_scoped3A : memref<!tpu.dma_semaphore, #tpu.memory_space<semaphore_mem>>) {add = true}
        %dma_wait3A_75 = arith.constant 0 : i32
        %dma_wait3A_76 = arith.constant 0 : i32
        %dma_wait3A_77 = tpu.memref_slice %arg13[%dma_wait3A_75, %dma_wait3A_76] : memref<10240x128xf32, #tpu.memory_space<vmem_shared>> -> memref<10240x128xf32, #tpu.memory_space<vmem_shared>>
        tpu.wait_indirect_dma semaphore(%run_scoped3A : memref<!tpu.dma_semaphore, #tpu.memory_space<semaphore_mem>>) src(%arg12 : memref<80x128xf32, #tpu.memory_space<vmem>>) dst(%dma_wait3A_77 : memref<10240x128xf32, #tpu.memory_space<vmem_shared>>)
        tpu.yield
      }) : () -> ()
      %add3A_62 = arith.constant 3 : i32
      %add3A_63 = arith.addi %mul3A_39, %add3A_62 : i32
      %add3A_64 = arith.addi %mul3A_6, %add3A_63 : i32
      %add3A_65 = arith.constant 125 : i32
      %add3A_66 = arith.addi %mul3A_6, %add3A_65 : i32
      %sub3A_67 = arith.constant 1 : i32
      %sub3A_68 = arith.subi %add3A_66, %sub3A_67 : i32
      %min3A_69 = arith.minsi %add3A_64, %sub3A_68 : i32
      %mul3A_70 = arith.constant 80 : i32
      %mul3A_71 = arith.muli %min3A_69, %mul3A_70 : i32
      "tpu.region"() ({
        %run_scoped3A = tpu.sem_alloc : memref<!tpu.dma_semaphore, #tpu.memory_space<semaphore_mem>>
        %dma_start3A_72 = tpu.memref_slice %arg3[%mul3A_71] : memref<320000xi32, #tpu.memory_space<hbm>> -> memref<80xi32, #tpu.memory_space<hbm>>
        %dma_start3A_73 = tpu.memref_slice %arg3[%mul3A_71] : memref<320000xi32, #tpu.memory_space<hbm>> -> memref<80xi32, #tpu.memory_space<hbm>>
        tpu.enqueue_dma source(%dma_start3A_73 : memref<80xi32, #tpu.memory_space<hbm>>) target(%arg9 : memref<80xi32, #tpu.memory_space<vmem>>) target_semaphore(%run_scoped3A : memref<!tpu.dma_semaphore, #tpu.memory_space<semaphore_mem>>)
        %dma_wait3A_74 = tpu.memref_slice %arg3[%mul3A_71] : memref<320000xi32, #tpu.memory_space<hbm>> -> memref<80xi32, #tpu.memory_space<hbm>>
        %dma_wait3A_75 = tpu.memref_slice %arg3[%mul3A_71] : memref<320000xi32, #tpu.memory_space<hbm>> -> memref<80xi32, #tpu.memory_space<hbm>>
        tpu.wait_dma2 semaphore(%run_scoped3A : memref<!tpu.dma_semaphore, #tpu.memory_space<semaphore_mem>>) src(%dma_wait3A_75 : memref<80xi32, #tpu.memory_space<hbm>>) dst(%arg9 : memref<80xi32, #tpu.memory_space<vmem>>)
        tpu.yield
      }) : () -> ()
      "tpu.region"() ({
        %run_scoped3A = tpu.sem_alloc : memref<!tpu.dma_semaphore, #tpu.memory_space<semaphore_mem>>
        %dma_start3A_72 = tpu.memref_slice %arg4[%mul3A_71] : memref<320000xi32, #tpu.memory_space<hbm>> -> memref<80xi32, #tpu.memory_space<hbm>>
        %dma_start3A_73 = tpu.memref_slice %arg4[%mul3A_71] : memref<320000xi32, #tpu.memory_space<hbm>> -> memref<80xi32, #tpu.memory_space<hbm>>
        tpu.enqueue_dma source(%dma_start3A_73 : memref<80xi32, #tpu.memory_space<hbm>>) target(%arg10 : memref<80xi32, #tpu.memory_space<vmem>>) target_semaphore(%run_scoped3A : memref<!tpu.dma_semaphore, #tpu.memory_space<semaphore_mem>>)
        %dma_wait3A_74 = tpu.memref_slice %arg4[%mul3A_71] : memref<320000xi32, #tpu.memory_space<hbm>> -> memref<80xi32, #tpu.memory_space<hbm>>
        %dma_wait3A_75 = tpu.memref_slice %arg4[%mul3A_71] : memref<320000xi32, #tpu.memory_space<hbm>> -> memref<80xi32, #tpu.memory_space<hbm>>
        tpu.wait_dma2 semaphore(%run_scoped3A : memref<!tpu.dma_semaphore, #tpu.memory_space<semaphore_mem>>) src(%dma_wait3A_75 : memref<80xi32, #tpu.memory_space<hbm>>) dst(%arg10 : memref<80xi32, #tpu.memory_space<vmem>>)
        tpu.yield
      }) : () -> ()
    }
    %scan3A_29 = arith.constant 62 : i32
    %dma_wait3A = arith.constant 0 : i32
    %dma_wait3A_30 = arith.constant 0 : i32
    %dma_wait3A_31 = tpu.memref_slice %arg2[%dma_wait3A, %dma_wait3A_30] : memref<10240x128xf32, #tpu.memory_space<hbm>> -> memref<10240x128xf32, #tpu.memory_space<hbm>>
    tpu.wait_indirect_dma semaphore(%arg14 : memref<!tpu.dma_semaphore, #tpu.memory_space<semaphore_mem>>) src(%dma_wait3A_31 : memref<10240x128xf32, #tpu.memory_space<hbm>>) dst(%arg11 : memref<80x128xf32, #tpu.memory_space<vmem>>)
    "tpu.region"() ({
      %run_scoped3A = tpu.sem_alloc : memref<!tpu.dma_semaphore, #tpu.memory_space<semaphore_mem>>
      %dma_start3A_37 = arith.constant 0 : i32
      %dma_start3A_38 = arith.constant 0 : i32
      %dma_start3A_39 = tpu.memref_slice %arg13[%dma_start3A_37, %dma_start3A_38] : memref<10240x128xf32, #tpu.memory_space<vmem_shared>> -> memref<10240x128xf32, #tpu.memory_space<vmem_shared>>
      tpu.enqueue_indirect_dma source(%arg11 : memref<80x128xf32, #tpu.memory_space<vmem>>) target(%dma_start3A_39 : memref<10240x128xf32, #tpu.memory_space<vmem_shared>>) offsets(%arg8 : memref<80xi32, #tpu.memory_space<vmem>>) semaphore(%run_scoped3A : memref<!tpu.dma_semaphore, #tpu.memory_space<semaphore_mem>>) {add = true}
      %dma_wait3A_40 = arith.constant 0 : i32
      %dma_wait3A_41 = arith.constant 0 : i32
      %dma_wait3A_42 = tpu.memref_slice %arg13[%dma_wait3A_40, %dma_wait3A_41] : memref<10240x128xf32, #tpu.memory_space<vmem_shared>> -> memref<10240x128xf32, #tpu.memory_space<vmem_shared>>
      tpu.wait_indirect_dma semaphore(%run_scoped3A : memref<!tpu.dma_semaphore, #tpu.memory_space<semaphore_mem>>) src(%arg11 : memref<80x128xf32, #tpu.memory_space<vmem>>) dst(%dma_wait3A_42 : memref<10240x128xf32, #tpu.memory_space<vmem_shared>>)
      tpu.yield
    }) : () -> ()
    %barrier3A_32 = arith.constant 0 : index
    tpu.barrier barrier_id(%barrier3A_32)
    %mul3A_33 = arith.constant 640 : i32
    %mul3A_34 = arith.muli %arg1, %mul3A_33 : i32
    %mul3A_35 = arith.constant 640 : i32
    %mul3A_36 = arith.muli %arg1, %mul3A_35 : i32
    "tpu.region"() ({
      %run_scoped3A = tpu.sem_alloc : memref<!tpu.dma_semaphore, #tpu.memory_space<semaphore_mem>>
      %dma_start3A_37 = arith.constant 0 : i32
      %dma_start3A_38 = tpu.memref_slice %arg6[%arg0, %mul3A_36, %dma_start3A_37] : memref<2x10240x128xf32, #tpu.memory_space<hbm>> -> memref<1x640x128xf32, #tpu.memory_space<hbm>>
      %dma_start3A_39 = tpu.memref_squeeze %dma_start3A_38 : memref<1x640x128xf32, #tpu.memory_space<hbm>> -> memref<640x128xf32, #tpu.memory_space<hbm>>
      %dma_start3A_40 = arith.constant 0 : i32
      %dma_start3A_41 = tpu.memref_slice %arg13[%mul3A_34, %dma_start3A_40] : memref<10240x128xf32, #tpu.memory_space<vmem_shared>> -> memref<640x128xf32, #tpu.memory_space<vmem_shared>>
      tpu.enqueue_dma source(%dma_start3A_41 : memref<640x128xf32, #tpu.memory_space<vmem_shared>>) target(%dma_start3A_39 : memref<640x128xf32, #tpu.memory_space<hbm>>) target_semaphore(%run_scoped3A : memref<!tpu.dma_semaphore, #tpu.memory_space<semaphore_mem>>)
      %dma_wait3A_42 = arith.constant 0 : i32
      %dma_wait3A_43 = tpu.memref_slice %arg6[%arg0, %mul3A_36, %dma_wait3A_42] : memref<2x10240x128xf32, #tpu.memory_space<hbm>> -> memref<1x640x128xf32, #tpu.memory_space<hbm>>
      %dma_wait3A_44 = tpu.memref_squeeze %dma_wait3A_43 : memref<1x640x128xf32, #tpu.memory_space<hbm>> -> memref<640x128xf32, #tpu.memory_space<hbm>>
      %dma_wait3A_45 = arith.constant 0 : i32
      %dma_wait3A_46 = tpu.memref_slice %arg13[%mul3A_34, %dma_wait3A_45] : memref<10240x128xf32, #tpu.memory_space<vmem_shared>> -> memref<640x128xf32, #tpu.memory_space<vmem_shared>>
      tpu.wait_dma2 semaphore(%run_scoped3A : memref<!tpu.dma_semaphore, #tpu.memory_space<semaphore_mem>>) src(%dma_wait3A_46 : memref<640x128xf32, #tpu.memory_space<vmem_shared>>) dst(%dma_wait3A_44 : memref<640x128xf32, #tpu.memory_space<hbm>>)
      tpu.yield
    }) : () -> ()
    return
  }
}

#map = affine_map<(d0, d1) -> (0, 0)>
#map1 = affine_map<(d0, d1) -> (0)>
#map2 = affine_map<(d0, d1) -> (0, 0, 0)>
module attributes {stable_mosaic.version = 14 : i64} {
  func.func @_sc_agg(%arg0: i32, %arg1: i32, %arg2: memref<10240x128xf32, #tpu.memory_space<hbm>>, %arg3: memref<320000xi32, #tpu.memory_space<hbm>>, %arg4: memref<320000xi32, #tpu.memory_space<hbm>>, %arg5: memref<10240x128xf32, #tpu.memory_space<hbm>>, %arg6: memref<2x10240x128xf32, #tpu.memory_space<hbm>>, %arg7: memref<80xi32, #tpu.memory_space<vmem>>, %arg8: memref<80xi32, #tpu.memory_space<vmem>>, %arg9: memref<80xi32, #tpu.memory_space<vmem>>, %arg10: memref<80xi32, #tpu.memory_space<vmem>>, %arg11: memref<80x128xf32, #tpu.memory_space<vmem>>, %arg12: memref<80x128xf32, #tpu.memory_space<vmem>>, %arg13: memref<10240x128xf32, #tpu.memory_space<vmem_shared>>, %arg14: memref<!tpu.dma_semaphore, #tpu.memory_space<semaphore_mem>>, %arg15: memref<!tpu.dma_semaphore, #tpu.memory_space<semaphore_mem>>) attributes {dimension_semantics = [#tpu.dimension_semantics<core_parallel>, #tpu.dimension_semantics<subcore_parallel>], iteration_bounds = array<i64: 2, 16>, scalar_prefetch = 0 : i64, scratch_operands = 9 : i64, tpu.core_type = #tpu.core_type<sc_vector_subcore>, window_params = [{transform_indices = #map}, {transform_indices = #map1}, {transform_indices = #map1}, {transform_indices = #map}, {transform_indices = #map2}]} {
    %mul3A = arith.constant 16 : i32
    %mul3A_0 = arith.muli %arg0, %mul3A : i32
    %add3A = arith.addi %mul3A_0, %arg1 : i32
    %mul3A_1 = arith.constant 640 : i32
    %mul3A_2 = arith.muli %arg1, %mul3A_1 : i32
    %mul3A_3 = arith.constant 640 : i32
    %mul3A_4 = arith.muli %arg1, %mul3A_3 : i32
    "tpu.region"() ({
      %run_scoped3A = tpu.sem_alloc : memref<!tpu.dma_semaphore, #tpu.memory_space<semaphore_mem>>
      %dma_start3A_37 = arith.constant 0 : i32
      %dma_start3A_38 = tpu.memref_slice %arg13[%mul3A_4, %dma_start3A_37] : memref<10240x128xf32, #tpu.memory_space<vmem_shared>> -> memref<640x128xf32, #tpu.memory_space<vmem_shared>>
      %dma_start3A_39 = arith.constant 0 : i32
      %dma_start3A_40 = tpu.memref_slice %arg5[%mul3A_2, %dma_start3A_39] : memref<10240x128xf32, #tpu.memory_space<hbm>> -> memref<640x128xf32, #tpu.memory_space<hbm>>
      tpu.enqueue_dma source(%dma_start3A_40 : memref<640x128xf32, #tpu.memory_space<hbm>>) target(%dma_start3A_38 : memref<640x128xf32, #tpu.memory_space<vmem_shared>>) target_semaphore(%run_scoped3A : memref<!tpu.dma_semaphore, #tpu.memory_space<semaphore_mem>>)
      %dma_wait3A_41 = arith.constant 0 : i32
      %dma_wait3A_42 = tpu.memref_slice %arg13[%mul3A_4, %dma_wait3A_41] : memref<10240x128xf32, #tpu.memory_space<vmem_shared>> -> memref<640x128xf32, #tpu.memory_space<vmem_shared>>
      %dma_wait3A_43 = arith.constant 0 : i32
      %dma_wait3A_44 = tpu.memref_slice %arg5[%mul3A_2, %dma_wait3A_43] : memref<10240x128xf32, #tpu.memory_space<hbm>> -> memref<640x128xf32, #tpu.memory_space<hbm>>
      tpu.wait_dma2 semaphore(%run_scoped3A : memref<!tpu.dma_semaphore, #tpu.memory_space<semaphore_mem>>) src(%dma_wait3A_44 : memref<640x128xf32, #tpu.memory_space<hbm>>) dst(%dma_wait3A_42 : memref<640x128xf32, #tpu.memory_space<vmem_shared>>)
      tpu.yield
    }) : () -> ()
    %barrier3A = arith.constant 0 : index
    tpu.barrier barrier_id(%barrier3A)
    %mul3A_5 = arith.constant 125 : i32
    %mul3A_6 = arith.muli %add3A, %mul3A_5 : i32
    %add3A_7 = arith.constant 0 : i32
    %add3A_8 = arith.addi %mul3A_6, %add3A_7 : i32
    %add3A_9 = arith.constant 125 : i32
    %add3A_10 = arith.addi %mul3A_6, %add3A_9 : i32
    %sub3A = arith.constant 1 : i32
    %sub3A_11 = arith.subi %add3A_10, %sub3A : i32
    %min3A = arith.minsi %add3A_8, %sub3A_11 : i32
    %mul3A_12 = arith.constant 80 : i32
    %mul3A_13 = arith.muli %min3A, %mul3A_12 : i32
    "tpu.region"() ({
      %run_scoped3A = tpu.sem_alloc : memref<!tpu.dma_semaphore, #tpu.memory_space<semaphore_mem>>
      %dma_start3A_37 = tpu.memref_slice %arg3[%mul3A_13] : memref<320000xi32, #tpu.memory_space<hbm>> -> memref<80xi32, #tpu.memory_space<hbm>>
      %dma_start3A_38 = tpu.memref_slice %arg3[%mul3A_13] : memref<320000xi32, #tpu.memory_space<hbm>> -> memref<80xi32, #tpu.memory_space<hbm>>
      tpu.enqueue_dma source(%dma_start3A_38 : memref<80xi32, #tpu.memory_space<hbm>>) target(%arg7 : memref<80xi32, #tpu.memory_space<vmem>>) target_semaphore(%run_scoped3A : memref<!tpu.dma_semaphore, #tpu.memory_space<semaphore_mem>>)
      %dma_wait3A_39 = tpu.memref_slice %arg3[%mul3A_13] : memref<320000xi32, #tpu.memory_space<hbm>> -> memref<80xi32, #tpu.memory_space<hbm>>
      %dma_wait3A_40 = tpu.memref_slice %arg3[%mul3A_13] : memref<320000xi32, #tpu.memory_space<hbm>> -> memref<80xi32, #tpu.memory_space<hbm>>
      tpu.wait_dma2 semaphore(%run_scoped3A : memref<!tpu.dma_semaphore, #tpu.memory_space<semaphore_mem>>) src(%dma_wait3A_40 : memref<80xi32, #tpu.memory_space<hbm>>) dst(%arg7 : memref<80xi32, #tpu.memory_space<vmem>>)
      tpu.yield
    }) : () -> ()
    "tpu.region"() ({
      %run_scoped3A = tpu.sem_alloc : memref<!tpu.dma_semaphore, #tpu.memory_space<semaphore_mem>>
      %dma_start3A_37 = tpu.memref_slice %arg4[%mul3A_13] : memref<320000xi32, #tpu.memory_space<hbm>> -> memref<80xi32, #tpu.memory_space<hbm>>
      %dma_start3A_38 = tpu.memref_slice %arg4[%mul3A_13] : memref<320000xi32, #tpu.memory_space<hbm>> -> memref<80xi32, #tpu.memory_space<hbm>>
      tpu.enqueue_dma source(%dma_start3A_38 : memref<80xi32, #tpu.memory_space<hbm>>) target(%arg8 : memref<80xi32, #tpu.memory_space<vmem>>) target_semaphore(%run_scoped3A : memref<!tpu.dma_semaphore, #tpu.memory_space<semaphore_mem>>)
      %dma_wait3A_39 = tpu.memref_slice %arg4[%mul3A_13] : memref<320000xi32, #tpu.memory_space<hbm>> -> memref<80xi32, #tpu.memory_space<hbm>>
      %dma_wait3A_40 = tpu.memref_slice %arg4[%mul3A_13] : memref<320000xi32, #tpu.memory_space<hbm>> -> memref<80xi32, #tpu.memory_space<hbm>>
      tpu.wait_dma2 semaphore(%run_scoped3A : memref<!tpu.dma_semaphore, #tpu.memory_space<semaphore_mem>>) src(%dma_wait3A_40 : memref<80xi32, #tpu.memory_space<hbm>>) dst(%arg8 : memref<80xi32, #tpu.memory_space<vmem>>)
      tpu.yield
    }) : () -> ()
    %dma_start3A = arith.constant 0 : i32
    %dma_start3A_14 = arith.constant 0 : i32
    %dma_start3A_15 = tpu.memref_slice %arg2[%dma_start3A, %dma_start3A_14] : memref<10240x128xf32, #tpu.memory_space<hbm>> -> memref<10240x128xf32, #tpu.memory_space<hbm>>
    tpu.enqueue_indirect_dma source(%dma_start3A_15 : memref<10240x128xf32, #tpu.memory_space<hbm>>) target(%arg11 : memref<80x128xf32, #tpu.memory_space<vmem>>) offsets(%arg7 : memref<80xi32, #tpu.memory_space<vmem>>) semaphore(%arg14 : memref<!tpu.dma_semaphore, #tpu.memory_space<semaphore_mem>>)
    %add3A_16 = arith.constant 1 : i32
    %add3A_17 = arith.addi %mul3A_6, %add3A_16 : i32
    %add3A_18 = arith.constant 125 : i32
    %add3A_19 = arith.addi %mul3A_6, %add3A_18 : i32
    %sub3A_20 = arith.constant 1 : i32
    %sub3A_21 = arith.subi %add3A_19, %sub3A_20 : i32
    %min3A_22 = arith.minsi %add3A_17, %sub3A_21 : i32
    %mul3A_23 = arith.constant 80 : i32
    %mul3A_24 = arith.muli %min3A_22, %mul3A_23 : i32
    "tpu.region"() ({
      %run_scoped3A = tpu.sem_alloc : memref<!tpu.dma_semaphore, #tpu.memory_space<semaphore_mem>>
      %dma_start3A_37 = tpu.memref_slice %arg3[%mul3A_24] : memref<320000xi32, #tpu.memory_space<hbm>> -> memref<80xi32, #tpu.memory_space<hbm>>
      %dma_start3A_38 = tpu.memref_slice %arg3[%mul3A_24] : memref<320000xi32, #tpu.memory_space<hbm>> -> memref<80xi32, #tpu.memory_space<hbm>>
      tpu.enqueue_dma source(%dma_start3A_38 : memref<80xi32, #tpu.memory_space<hbm>>) target(%arg9 : memref<80xi32, #tpu.memory_space<vmem>>) target_semaphore(%run_scoped3A : memref<!tpu.dma_semaphore, #tpu.memory_space<semaphore_mem>>)
      %dma_wait3A_39 = tpu.memref_slice %arg3[%mul3A_24] : memref<320000xi32, #tpu.memory_space<hbm>> -> memref<80xi32, #tpu.memory_space<hbm>>
      %dma_wait3A_40 = tpu.memref_slice %arg3[%mul3A_24] : memref<320000xi32, #tpu.memory_space<hbm>> -> memref<80xi32, #tpu.memory_space<hbm>>
      tpu.wait_dma2 semaphore(%run_scoped3A : memref<!tpu.dma_semaphore, #tpu.memory_space<semaphore_mem>>) src(%dma_wait3A_40 : memref<80xi32, #tpu.memory_space<hbm>>) dst(%arg9 : memref<80xi32, #tpu.memory_space<vmem>>)
      tpu.yield
    }) : () -> ()
    "tpu.region"() ({
      %run_scoped3A = tpu.sem_alloc : memref<!tpu.dma_semaphore, #tpu.memory_space<semaphore_mem>>
      %dma_start3A_37 = tpu.memref_slice %arg4[%mul3A_24] : memref<320000xi32, #tpu.memory_space<hbm>> -> memref<80xi32, #tpu.memory_space<hbm>>
      %dma_start3A_38 = tpu.memref_slice %arg4[%mul3A_24] : memref<320000xi32, #tpu.memory_space<hbm>> -> memref<80xi32, #tpu.memory_space<hbm>>
      tpu.enqueue_dma source(%dma_start3A_38 : memref<80xi32, #tpu.memory_space<hbm>>) target(%arg10 : memref<80xi32, #tpu.memory_space<vmem>>) target_semaphore(%run_scoped3A : memref<!tpu.dma_semaphore, #tpu.memory_space<semaphore_mem>>)
      %dma_wait3A_39 = tpu.memref_slice %arg4[%mul3A_24] : memref<320000xi32, #tpu.memory_space<hbm>> -> memref<80xi32, #tpu.memory_space<hbm>>
      %dma_wait3A_40 = tpu.memref_slice %arg4[%mul3A_24] : memref<320000xi32, #tpu.memory_space<hbm>> -> memref<80xi32, #tpu.memory_space<hbm>>
      tpu.wait_dma2 semaphore(%run_scoped3A : memref<!tpu.dma_semaphore, #tpu.memory_space<semaphore_mem>>) src(%dma_wait3A_40 : memref<80xi32, #tpu.memory_space<hbm>>) dst(%arg10 : memref<80xi32, #tpu.memory_space<vmem>>)
      tpu.yield
    }) : () -> ()
    %scan3A = arith.constant 0 : i32
    %scan3A_25 = arith.constant 0 : i32
    %scan3A_26 = arith.constant 62 : i32
    %scan3A_27 = arith.addi %scan3A_25, %scan3A_26 : i32
    %scan3A_28 = arith.constant 1 : i32
    scf.for %scan3A_37 = %scan3A_25 to %scan3A_27 step %scan3A_28  : i32 {
      %mul3A_38 = arith.constant 2 : i32
      %mul3A_39 = arith.muli %mul3A_38, %scan3A_37 : i32
      %dma_start3A_40 = arith.constant 0 : i32
      %dma_start3A_41 = arith.constant 0 : i32
      %dma_start3A_42 = tpu.memref_slice %arg2[%dma_start3A_40, %dma_start3A_41] : memref<10240x128xf32, #tpu.memory_space<hbm>> -> memref<10240x128xf32, #tpu.memory_space<hbm>>
      tpu.enqueue_indirect_dma source(%dma_start3A_42 : memref<10240x128xf32, #tpu.memory_space<hbm>>) target(%arg12 : memref<80x128xf32, #tpu.memory_space<vmem>>) offsets(%arg9 : memref<80xi32, #tpu.memory_space<vmem>>) semaphore(%arg15 : memref<!tpu.dma_semaphore, #tpu.memory_space<semaphore_mem>>)
      %dma_wait3A_43 = arith.constant 0 : i32
      %dma_wait3A_44 = arith.constant 0 : i32
      %dma_wait3A_45 = tpu.memref_slice %arg2[%dma_wait3A_43, %dma_wait3A_44] : memref<10240x128xf32, #tpu.memory_space<hbm>> -> memref<10240x128xf32, #tpu.memory_space<hbm>>
      tpu.wait_indirect_dma semaphore(%arg14 : memref<!tpu.dma_semaphore, #tpu.memory_space<semaphore_mem>>) src(%dma_wait3A_45 : memref<10240x128xf32, #tpu.memory_space<hbm>>) dst(%arg11 : memref<80x128xf32, #tpu.memory_space<vmem>>)
      "tpu.region"() ({
        %run_scoped3A = tpu.sem_alloc : memref<!tpu.dma_semaphore, #tpu.memory_space<semaphore_mem>>
        %dma_start3A_72 = arith.constant 0 : i32
        %dma_start3A_73 = arith.constant 0 : i32
        %dma_start3A_74 = tpu.memref_slice %arg13[%dma_start3A_72, %dma_start3A_73] : memref<10240x128xf32, #tpu.memory_space<vmem_shared>> -> memref<10240x128xf32, #tpu.memory_space<vmem_shared>>
        tpu.enqueue_indirect_dma source(%arg11 : memref<80x128xf32, #tpu.memory_space<vmem>>) target(%dma_start3A_74 : memref<10240x128xf32, #tpu.memory_space<vmem_shared>>) offsets(%arg8 : memref<80xi32, #tpu.memory_space<vmem>>) semaphore(%run_scoped3A : memref<!tpu.dma_semaphore, #tpu.memory_space<semaphore_mem>>) {add = true}
        %dma_wait3A_75 = arith.constant 0 : i32
        %dma_wait3A_76 = arith.constant 0 : i32
        %dma_wait3A_77 = tpu.memref_slice %arg13[%dma_wait3A_75, %dma_wait3A_76] : memref<10240x128xf32, #tpu.memory_space<vmem_shared>> -> memref<10240x128xf32, #tpu.memory_space<vmem_shared>>
        tpu.wait_indirect_dma semaphore(%run_scoped3A : memref<!tpu.dma_semaphore, #tpu.memory_space<semaphore_mem>>) src(%arg11 : memref<80x128xf32, #tpu.memory_space<vmem>>) dst(%dma_wait3A_77 : memref<10240x128xf32, #tpu.memory_space<vmem_shared>>)
        tpu.yield
      }) : () -> ()
      %add3A_46 = arith.constant 2 : i32
      %add3A_47 = arith.addi %mul3A_39, %add3A_46 : i32
      %add3A_48 = arith.addi %mul3A_6, %add3A_47 : i32
      %add3A_49 = arith.constant 125 : i32
      %add3A_50 = arith.addi %mul3A_6, %add3A_49 : i32
      %sub3A_51 = arith.constant 1 : i32
      %sub3A_52 = arith.subi %add3A_50, %sub3A_51 : i32
      %min3A_53 = arith.minsi %add3A_48, %sub3A_52 : i32
      %mul3A_54 = arith.constant 80 : i32
      %mul3A_55 = arith.muli %min3A_53, %mul3A_54 : i32
      "tpu.region"() ({
        %run_scoped3A = tpu.sem_alloc : memref<!tpu.dma_semaphore, #tpu.memory_space<semaphore_mem>>
        %dma_start3A_72 = tpu.memref_slice %arg3[%mul3A_55] : memref<320000xi32, #tpu.memory_space<hbm>> -> memref<80xi32, #tpu.memory_space<hbm>>
        %dma_start3A_73 = tpu.memref_slice %arg3[%mul3A_55] : memref<320000xi32, #tpu.memory_space<hbm>> -> memref<80xi32, #tpu.memory_space<hbm>>
        tpu.enqueue_dma source(%dma_start3A_73 : memref<80xi32, #tpu.memory_space<hbm>>) target(%arg7 : memref<80xi32, #tpu.memory_space<vmem>>) target_semaphore(%run_scoped3A : memref<!tpu.dma_semaphore, #tpu.memory_space<semaphore_mem>>)
        %dma_wait3A_74 = tpu.memref_slice %arg3[%mul3A_55] : memref<320000xi32, #tpu.memory_space<hbm>> -> memref<80xi32, #tpu.memory_space<hbm>>
        %dma_wait3A_75 = tpu.memref_slice %arg3[%mul3A_55] : memref<320000xi32, #tpu.memory_space<hbm>> -> memref<80xi32, #tpu.memory_space<hbm>>
        tpu.wait_dma2 semaphore(%run_scoped3A : memref<!tpu.dma_semaphore, #tpu.memory_space<semaphore_mem>>) src(%dma_wait3A_75 : memref<80xi32, #tpu.memory_space<hbm>>) dst(%arg7 : memref<80xi32, #tpu.memory_space<vmem>>)
        tpu.yield
      }) : () -> ()
      "tpu.region"() ({
        %run_scoped3A = tpu.sem_alloc : memref<!tpu.dma_semaphore, #tpu.memory_space<semaphore_mem>>
        %dma_start3A_72 = tpu.memref_slice %arg4[%mul3A_55] : memref<320000xi32, #tpu.memory_space<hbm>> -> memref<80xi32, #tpu.memory_space<hbm>>
        %dma_start3A_73 = tpu.memref_slice %arg4[%mul3A_55] : memref<320000xi32, #tpu.memory_space<hbm>> -> memref<80xi32, #tpu.memory_space<hbm>>
        tpu.enqueue_dma source(%dma_start3A_73 : memref<80xi32, #tpu.memory_space<hbm>>) target(%arg8 : memref<80xi32, #tpu.memory_space<vmem>>) target_semaphore(%run_scoped3A : memref<!tpu.dma_semaphore, #tpu.memory_space<semaphore_mem>>)
        %dma_wait3A_74 = tpu.memref_slice %arg4[%mul3A_55] : memref<320000xi32, #tpu.memory_space<hbm>> -> memref<80xi32, #tpu.memory_space<hbm>>
        %dma_wait3A_75 = tpu.memref_slice %arg4[%mul3A_55] : memref<320000xi32, #tpu.memory_space<hbm>> -> memref<80xi32, #tpu.memory_space<hbm>>
        tpu.wait_dma2 semaphore(%run_scoped3A : memref<!tpu.dma_semaphore, #tpu.memory_space<semaphore_mem>>) src(%dma_wait3A_75 : memref<80xi32, #tpu.memory_space<hbm>>) dst(%arg8 : memref<80xi32, #tpu.memory_space<vmem>>)
        tpu.yield
      }) : () -> ()
      %dma_start3A_56 = arith.constant 0 : i32
      %dma_start3A_57 = arith.constant 0 : i32
      %dma_start3A_58 = tpu.memref_slice %arg2[%dma_start3A_56, %dma_start3A_57] : memref<10240x128xf32, #tpu.memory_space<hbm>> -> memref<10240x128xf32, #tpu.memory_space<hbm>>
      tpu.enqueue_indirect_dma source(%dma_start3A_58 : memref<10240x128xf32, #tpu.memory_space<hbm>>) target(%arg11 : memref<80x128xf32, #tpu.memory_space<vmem>>) offsets(%arg7 : memref<80xi32, #tpu.memory_space<vmem>>) semaphore(%arg14 : memref<!tpu.dma_semaphore, #tpu.memory_space<semaphore_mem>>)
      %dma_wait3A_59 = arith.constant 0 : i32
      %dma_wait3A_60 = arith.constant 0 : i32
      %dma_wait3A_61 = tpu.memref_slice %arg2[%dma_wait3A_59, %dma_wait3A_60] : memref<10240x128xf32, #tpu.memory_space<hbm>> -> memref<10240x128xf32, #tpu.memory_space<hbm>>
      tpu.wait_indirect_dma semaphore(%arg15 : memref<!tpu.dma_semaphore, #tpu.memory_space<semaphore_mem>>) src(%dma_wait3A_61 : memref<10240x128xf32, #tpu.memory_space<hbm>>) dst(%arg12 : memref<80x128xf32, #tpu.memory_space<vmem>>)
      "tpu.region"() ({
        %run_scoped3A = tpu.sem_alloc : memref<!tpu.dma_semaphore, #tpu.memory_space<semaphore_mem>>
        %dma_start3A_72 = arith.constant 0 : i32
        %dma_start3A_73 = arith.constant 0 : i32
        %dma_start3A_74 = tpu.memref_slice %arg13[%dma_start3A_72, %dma_start3A_73] : memref<10240x128xf32, #tpu.memory_space<vmem_shared>> -> memref<10240x128xf32, #tpu.memory_space<vmem_shared>>
        tpu.enqueue_indirect_dma source(%arg12 : memref<80x128xf32, #tpu.memory_space<vmem>>) target(%dma_start3A_74 : memref<10240x128xf32, #tpu.memory_space<vmem_shared>>) offsets(%arg10 : memref<80xi32, #tpu.memory_space<vmem>>) semaphore(%run_scoped3A : memref<!tpu.dma_semaphore, #tpu.memory_space<semaphore_mem>>) {add = true}
        %dma_wait3A_75 = arith.constant 0 : i32
        %dma_wait3A_76 = arith.constant 0 : i32
        %dma_wait3A_77 = tpu.memref_slice %arg13[%dma_wait3A_75, %dma_wait3A_76] : memref<10240x128xf32, #tpu.memory_space<vmem_shared>> -> memref<10240x128xf32, #tpu.memory_space<vmem_shared>>
        tpu.wait_indirect_dma semaphore(%run_scoped3A : memref<!tpu.dma_semaphore, #tpu.memory_space<semaphore_mem>>) src(%arg12 : memref<80x128xf32, #tpu.memory_space<vmem>>) dst(%dma_wait3A_77 : memref<10240x128xf32, #tpu.memory_space<vmem_shared>>)
        tpu.yield
      }) : () -> ()
      %add3A_62 = arith.constant 3 : i32
      %add3A_63 = arith.addi %mul3A_39, %add3A_62 : i32
      %add3A_64 = arith.addi %mul3A_6, %add3A_63 : i32
      %add3A_65 = arith.constant 125 : i32
      %add3A_66 = arith.addi %mul3A_6, %add3A_65 : i32
      %sub3A_67 = arith.constant 1 : i32
      %sub3A_68 = arith.subi %add3A_66, %sub3A_67 : i32
      %min3A_69 = arith.minsi %add3A_64, %sub3A_68 : i32
      %mul3A_70 = arith.constant 80 : i32
      %mul3A_71 = arith.muli %min3A_69, %mul3A_70 : i32
      "tpu.region"() ({
        %run_scoped3A = tpu.sem_alloc : memref<!tpu.dma_semaphore, #tpu.memory_space<semaphore_mem>>
        %dma_start3A_72 = tpu.memref_slice %arg3[%mul3A_71] : memref<320000xi32, #tpu.memory_space<hbm>> -> memref<80xi32, #tpu.memory_space<hbm>>
        %dma_start3A_73 = tpu.memref_slice %arg3[%mul3A_71] : memref<320000xi32, #tpu.memory_space<hbm>> -> memref<80xi32, #tpu.memory_space<hbm>>
        tpu.enqueue_dma source(%dma_start3A_73 : memref<80xi32, #tpu.memory_space<hbm>>) target(%arg9 : memref<80xi32, #tpu.memory_space<vmem>>) target_semaphore(%run_scoped3A : memref<!tpu.dma_semaphore, #tpu.memory_space<semaphore_mem>>)
        %dma_wait3A_74 = tpu.memref_slice %arg3[%mul3A_71] : memref<320000xi32, #tpu.memory_space<hbm>> -> memref<80xi32, #tpu.memory_space<hbm>>
        %dma_wait3A_75 = tpu.memref_slice %arg3[%mul3A_71] : memref<320000xi32, #tpu.memory_space<hbm>> -> memref<80xi32, #tpu.memory_space<hbm>>
        tpu.wait_dma2 semaphore(%run_scoped3A : memref<!tpu.dma_semaphore, #tpu.memory_space<semaphore_mem>>) src(%dma_wait3A_75 : memref<80xi32, #tpu.memory_space<hbm>>) dst(%arg9 : memref<80xi32, #tpu.memory_space<vmem>>)
        tpu.yield
      }) : () -> ()
      "tpu.region"() ({
        %run_scoped3A = tpu.sem_alloc : memref<!tpu.dma_semaphore, #tpu.memory_space<semaphore_mem>>
        %dma_start3A_72 = tpu.memref_slice %arg4[%mul3A_71] : memref<320000xi32, #tpu.memory_space<hbm>> -> memref<80xi32, #tpu.memory_space<hbm>>
        %dma_start3A_73 = tpu.memref_slice %arg4[%mul3A_71] : memref<320000xi32, #tpu.memory_space<hbm>> -> memref<80xi32, #tpu.memory_space<hbm>>
        tpu.enqueue_dma source(%dma_start3A_73 : memref<80xi32, #tpu.memory_space<hbm>>) target(%arg10 : memref<80xi32, #tpu.memory_space<vmem>>) target_semaphore(%run_scoped3A : memref<!tpu.dma_semaphore, #tpu.memory_space<semaphore_mem>>)
        %dma_wait3A_74 = tpu.memref_slice %arg4[%mul3A_71] : memref<320000xi32, #tpu.memory_space<hbm>> -> memref<80xi32, #tpu.memory_space<hbm>>
        %dma_wait3A_75 = tpu.memref_slice %arg4[%mul3A_71] : memref<320000xi32, #tpu.memory_space<hbm>> -> memref<80xi32, #tpu.memory_space<hbm>>
        tpu.wait_dma2 semaphore(%run_scoped3A : memref<!tpu.dma_semaphore, #tpu.memory_space<semaphore_mem>>) src(%dma_wait3A_75 : memref<80xi32, #tpu.memory_space<hbm>>) dst(%arg10 : memref<80xi32, #tpu.memory_space<vmem>>)
        tpu.yield
      }) : () -> ()
    }
    %scan3A_29 = arith.constant 62 : i32
    %dma_wait3A = arith.constant 0 : i32
    %dma_wait3A_30 = arith.constant 0 : i32
    %dma_wait3A_31 = tpu.memref_slice %arg2[%dma_wait3A, %dma_wait3A_30] : memref<10240x128xf32, #tpu.memory_space<hbm>> -> memref<10240x128xf32, #tpu.memory_space<hbm>>
    tpu.wait_indirect_dma semaphore(%arg14 : memref<!tpu.dma_semaphore, #tpu.memory_space<semaphore_mem>>) src(%dma_wait3A_31 : memref<10240x128xf32, #tpu.memory_space<hbm>>) dst(%arg11 : memref<80x128xf32, #tpu.memory_space<vmem>>)
    "tpu.region"() ({
      %run_scoped3A = tpu.sem_alloc : memref<!tpu.dma_semaphore, #tpu.memory_space<semaphore_mem>>
      %dma_start3A_37 = arith.constant 0 : i32
      %dma_start3A_38 = arith.constant 0 : i32
      %dma_start3A_39 = tpu.memref_slice %arg13[%dma_start3A_37, %dma_start3A_38] : memref<10240x128xf32, #tpu.memory_space<vmem_shared>> -> memref<10240x128xf32, #tpu.memory_space<vmem_shared>>
      tpu.enqueue_indirect_dma source(%arg11 : memref<80x128xf32, #tpu.memory_space<vmem>>) target(%dma_start3A_39 : memref<10240x128xf32, #tpu.memory_space<vmem_shared>>) offsets(%arg8 : memref<80xi32, #tpu.memory_space<vmem>>) semaphore(%run_scoped3A : memref<!tpu.dma_semaphore, #tpu.memory_space<semaphore_mem>>) {add = true}
      %dma_wait3A_40 = arith.constant 0 : i32
      %dma_wait3A_41 = arith.constant 0 : i32
      %dma_wait3A_42 = tpu.memref_slice %arg13[%dma_wait3A_40, %dma_wait3A_41] : memref<10240x128xf32, #tpu.memory_space<vmem_shared>> -> memref<10240x128xf32, #tpu.memory_space<vmem_shared>>
      tpu.wait_indirect_dma semaphore(%run_scoped3A : memref<!tpu.dma_semaphore, #tpu.memory_space<semaphore_mem>>) src(%arg11 : memref<80x128xf32, #tpu.memory_space<vmem>>) dst(%dma_wait3A_42 : memref<10240x128xf32, #tpu.memory_space<vmem_shared>>)
      tpu.yield
    }) : () -> ()
    %barrier3A_32 = arith.constant 0 : index
    tpu.barrier barrier_id(%barrier3A_32)
    %mul3A_33 = arith.constant 640 : i32
    %mul3A_34 = arith.muli %arg1, %mul3A_33 : i32
    %mul3A_35 = arith.constant 640 : i32
    %mul3A_36 = arith.muli %arg1, %mul3A_35 : i32
    "tpu.region"() ({
      %run_scoped3A = tpu.sem_alloc : memref<!tpu.dma_semaphore, #tpu.memory_space<semaphore_mem>>
      %dma_start3A_37 = arith.constant 0 : i32
      %dma_start3A_38 = tpu.memref_slice %arg6[%arg0, %mul3A_36, %dma_start3A_37] : memref<2x10240x128xf32, #tpu.memory_space<hbm>> -> memref<1x640x128xf32, #tpu.memory_space<hbm>>
      %dma_start3A_39 = tpu.memref_squeeze %dma_start3A_38 : memref<1x640x128xf32, #tpu.memory_space<hbm>> -> memref<640x128xf32, #tpu.memory_space<hbm>>
      %dma_start3A_40 = arith.constant 0 : i32
      %dma_start3A_41 = tpu.memref_slice %arg13[%mul3A_34, %dma_start3A_40] : memref<10240x128xf32, #tpu.memory_space<vmem_shared>> -> memref<640x128xf32, #tpu.memory_space<vmem_shared>>
      tpu.enqueue_dma source(%dma_start3A_41 : memref<640x128xf32, #tpu.memory_space<vmem_shared>>) target(%dma_start3A_39 : memref<640x128xf32, #tpu.memory_space<hbm>>) target_semaphore(%run_scoped3A : memref<!tpu.dma_semaphore, #tpu.memory_space<semaphore_mem>>)
      %dma_wait3A_42 = arith.constant 0 : i32
      %dma_wait3A_43 = tpu.memref_slice %arg6[%arg0, %mul3A_36, %dma_wait3A_42] : memref<2x10240x128xf32, #tpu.memory_space<hbm>> -> memref<1x640x128xf32, #tpu.memory_space<hbm>>
      %dma_wait3A_44 = tpu.memref_squeeze %dma_wait3A_43 : memref<1x640x128xf32, #tpu.memory_space<hbm>> -> memref<640x128xf32, #tpu.memory_space<hbm>>
      %dma_wait3A_45 = arith.constant 0 : i32
      %dma_wait3A_46 = tpu.memref_slice %arg13[%mul3A_34, %dma_wait3A_45] : memref<10240x128xf32, #tpu.memory_space<vmem_shared>> -> memref<640x128xf32, #tpu.memory_space<vmem_shared>>
      tpu.wait_dma2 semaphore(%run_scoped3A : memref<!tpu.dma_semaphore, #tpu.memory_space<semaphore_mem>>) src(%dma_wait3A_46 : memref<640x128xf32, #tpu.memory_space<vmem_shared>>) dst(%dma_wait3A_44 : memref<640x128xf32, #tpu.memory_space<hbm>>)
      tpu.yield
    }) : () -> ()
    return
  }
}

module attributes {stable_mosaic.version = 14 : i64} {
  func.func @_dense_body(%arg0: i32, %arg1: memref<2x1024x128xf32, #tpu.memory_space<vmem>>, %arg2: memref<2x1024x128xf32, #tpu.memory_space<vmem>>, %arg3: memref<1024x128xf32, #tpu.memory_space<vmem>>, %arg4: memref<128x128xf32, #tpu.memory_space<vmem>>, %arg5: memref<1x128xf32, #tpu.memory_space<vmem>>, %arg6: memref<128x128xf32, #tpu.memory_space<vmem>>, %arg7: memref<1024x128xf32, #tpu.memory_space<vmem>>) attributes {dimension_semantics = [#tpu.dimension_semantics<arbitrary>], iteration_bounds = array<i64: 10>, scalar_prefetch = 0 : i64, scratch_operands = 0 : i64, tpu.core_type = #tpu.core_type<tc>, window_params = [{transform_indices = @transform_0, window_bounds = array<i64: 2, 1024, 128>}, {transform_indices = @transform_1, window_bounds = array<i64: 2, 1024, 128>}, {transform_indices = @transform_2, window_bounds = array<i64: 1024, 128>}, {pipeline_mode = #tpu.pipeline_mode<synchronous>, transform_indices = @transform_3, window_bounds = array<i64: 128, 128>}, {pipeline_mode = #tpu.pipeline_mode<synchronous>, transform_indices = @transform_4, window_bounds = array<i64: 1, 128>}, {pipeline_mode = #tpu.pipeline_mode<synchronous>, transform_indices = @transform_5, window_bounds = array<i64: 128, 128>}, {transform_indices = @transform_6, window_bounds = array<i64: 1024, 128>}]} {
    %get3A = arith.constant 0 : index
    %get3A_0 = arith.constant 0 : index
    %get3A_1 = arith.constant 0 : index
    %get3A_2 = vector.load %arg1[%get3A, %get3A_0, %get3A_1] : memref<2x1024x128xf32, #tpu.memory_space<vmem>>, vector<1x1024x128xf32>
    %get3A_3 = vector.shape_cast %get3A_2 : vector<1x1024x128xf32> to vector<1024x128xf32>
    %get3A_4 = arith.constant 1 : index
    %get3A_5 = arith.constant 0 : index
    %get3A_6 = arith.constant 0 : index
    %get3A_7 = vector.load %arg1[%get3A_4, %get3A_5, %get3A_6] : memref<2x1024x128xf32, #tpu.memory_space<vmem>>, vector<1x1024x128xf32>
    %get3A_8 = vector.shape_cast %get3A_7 : vector<1x1024x128xf32> to vector<1024x128xf32>
    %add3A = arith.addf %get3A_3, %get3A_8 : vector<1024x128xf32>
    %get3A_9 = arith.constant 0 : index
    %get3A_10 = arith.constant 0 : index
    %get3A_11 = arith.constant 0 : index
    %get3A_12 = vector.load %arg2[%get3A_9, %get3A_10, %get3A_11] : memref<2x1024x128xf32, #tpu.memory_space<vmem>>, vector<1x1024x1xf32>
    %get3A_13 = vector.shape_cast %get3A_12 : vector<1x1024x1xf32> to vector<1024x1xf32>
    %get3A_14 = arith.constant 1 : index
    %get3A_15 = arith.constant 0 : index
    %get3A_16 = arith.constant 0 : index
    %get3A_17 = vector.load %arg2[%get3A_14, %get3A_15, %get3A_16] : memref<2x1024x128xf32, #tpu.memory_space<vmem>>, vector<1x1024x1xf32>
    %get3A_18 = vector.shape_cast %get3A_17 : vector<1x1024x1xf32> to vector<1024x1xf32>
    %add3A_19 = arith.addf %get3A_13, %get3A_18 : vector<1024x1xf32>
    %max3A = arith.constant 1.000000e+00 : f32
    %max3A_20 = vector.broadcast %max3A : f32 to vector<1024x1xf32>
    %max3A_21 = arith.maximumf %add3A_19, %max3A_20 : vector<1024x1xf32>
    %div3A = vector.broadcast %max3A_21 : vector<1024x1xf32> to vector<1024x128xf32>
    %div3A_22 = arith.divf %add3A, %div3A : vector<1024x128xf32>
    %get3A_23 = arith.constant 0 : index
    %get3A_24 = arith.constant 0 : index
    %get3A_25 = vector.load %arg4[%get3A_23, %get3A_24] : memref<128x128xf32, #tpu.memory_space<vmem>>, vector<128x128xf32>
    %dot_general3A = arith.constant dense<0.000000e+00> : vector<1024x128xf32>
    %dot_general3A_26 = tpu.matmul %div3A_22, %get3A_25, %dot_general3A {dimension_numbers = #tpu.dot_dimension_numbers<[1], [1], [0], [0], [0, 0, 1, 0], [], []>, transpose_lhs_hint = false} : vector<1024x128xf32>, vector<128x128xf32>, vector<1024x128xf32> -> vector<1024x128xf32>
    %get3A_27 = arith.constant 0 : index
    %get3A_28 = arith.constant 0 : index
    %get3A_29 = vector.load %arg5[%get3A_27, %get3A_28] : memref<1x128xf32, #tpu.memory_space<vmem>>, vector<1x128xf32>
    %add3A_30 = vector.broadcast %get3A_29 : vector<1x128xf32> to vector<1024x128xf32>
    %add3A_31 = arith.addf %dot_general3A_26, %add3A_30 : vector<1024x128xf32>
    %get3A_32 = arith.constant 0 : index
    %get3A_33 = arith.constant 0 : index
    %get3A_34 = vector.load %arg3[%get3A_32, %get3A_33] : memref<1024x128xf32, #tpu.memory_space<vmem>>, vector<1024x128xf32>
    %get3A_35 = arith.constant 0 : index
    %get3A_36 = arith.constant 0 : index
    %get3A_37 = vector.load %arg6[%get3A_35, %get3A_36] : memref<128x128xf32, #tpu.memory_space<vmem>>, vector<128x128xf32>
    %dot_general3A_38 = arith.constant dense<0.000000e+00> : vector<1024x128xf32>
    %dot_general3A_39 = tpu.matmul %get3A_34, %get3A_37, %dot_general3A_38 {dimension_numbers = #tpu.dot_dimension_numbers<[1], [1], [0], [0], [0, 0, 1, 0], [], []>, transpose_lhs_hint = false} : vector<1024x128xf32>, vector<128x128xf32>, vector<1024x128xf32> -> vector<1024x128xf32>
    %add3A_40 = arith.addf %add3A_31, %dot_general3A_39 : vector<1024x128xf32>
    %max3A_41 = arith.constant 0.000000e+00 : f32
    %max3A_42 = vector.broadcast %max3A_41 : f32 to vector<1024x128xf32>
    %max3A_43 = arith.maximumf %add3A_40, %max3A_42 : vector<1024x128xf32>
    %swap3A = arith.constant 0 : index
    %swap3A_44 = arith.constant 0 : index
    %swap3A_45 = vector.load %arg7[%swap3A, %swap3A_44] : memref<1024x128xf32, #tpu.memory_space<vmem>>, vector<1024x128xf32>
    tpu.vector_store %arg7[%swap3A, %swap3A_44], %max3A_43 {strides = array<i32>} : memref<1024x128xf32, #tpu.memory_space<vmem>>, vector<1024x128xf32>,
    return
  }
  func.func @transform_0(%arg0: i32) -> (i32, i32, i32) {
    %c0_i32 = arith.constant 0 : i32
    %c0_i32_0 = arith.constant 0 : i32
    %c0_i32_1 = arith.constant 0 : i32
    return %c0_i32, %arg0, %c0_i32_0 : i32, i32, i32
  }
  func.func @transform_1(%arg0: i32) -> (i32, i32, i32) {
    %c0_i32 = arith.constant 0 : i32
    %c0_i32_0 = arith.constant 0 : i32
    %c0_i32_1 = arith.constant 0 : i32
    return %c0_i32, %arg0, %c0_i32_0 : i32, i32, i32
  }
  func.func @transform_2(%arg0: i32) -> (i32, i32) {
    %c0_i32 = arith.constant 0 : i32
    %c0_i32_0 = arith.constant 0 : i32
    return %arg0, %c0_i32 : i32, i32
  }
  func.func @transform_3(%arg0: i32) -> (i32, i32) {
    %c0_i32 = arith.constant 0 : i32
    %c0_i32_0 = arith.constant 0 : i32
    %c0_i32_1 = arith.constant 0 : i32
    return %c0_i32, %c0_i32_0 : i32, i32
  }
  func.func @transform_4(%arg0: i32) -> (i32, i32) {
    %c0_i32 = arith.constant 0 : i32
    %c0_i32_0 = arith.constant 0 : i32
    %c0_i32_1 = arith.constant 0 : i32
    return %c0_i32, %c0_i32_0 : i32, i32
  }
  func.func @transform_5(%arg0: i32) -> (i32, i32) {
    %c0_i32 = arith.constant 0 : i32
    %c0_i32_0 = arith.constant 0 : i32
    %c0_i32_1 = arith.constant 0 : i32
    return %c0_i32, %c0_i32_0 : i32, i32
  }
  func.func @transform_6(%arg0: i32) -> (i32, i32) {
    %c0_i32 = arith.constant 0 : i32
    %c0_i32_0 = arith.constant 0 : i32
    return %arg0, %c0_i32 : i32, i32
  }
}

module attributes {stable_mosaic.version = 14 : i64} {
  func.func @_dense_body(%arg0: i32, %arg1: memref<2x1024x128xf32, #tpu.memory_space<vmem>>, %arg2: memref<2x1024x128xf32, #tpu.memory_space<vmem>>, %arg3: memref<1024x128xf32, #tpu.memory_space<vmem>>, %arg4: memref<121x128xf32, #tpu.memory_space<vmem>>, %arg5: memref<1x121xf32, #tpu.memory_space<vmem>>, %arg6: memref<121x128xf32, #tpu.memory_space<vmem>>, %arg7: memref<1024x121xf32, #tpu.memory_space<vmem>>) attributes {dimension_semantics = [#tpu.dimension_semantics<arbitrary>], iteration_bounds = array<i64: 10>, scalar_prefetch = 0 : i64, scratch_operands = 0 : i64, tpu.core_type = #tpu.core_type<tc>, window_params = [{transform_indices = @transform_0, window_bounds = array<i64: 2, 1024, 128>}, {transform_indices = @transform_1, window_bounds = array<i64: 2, 1024, 128>}, {transform_indices = @transform_2, window_bounds = array<i64: 1024, 128>}, {pipeline_mode = #tpu.pipeline_mode<synchronous>, transform_indices = @transform_3, window_bounds = array<i64: 121, 128>}, {pipeline_mode = #tpu.pipeline_mode<synchronous>, transform_indices = @transform_4, window_bounds = array<i64: 1, 121>}, {pipeline_mode = #tpu.pipeline_mode<synchronous>, transform_indices = @transform_5, window_bounds = array<i64: 121, 128>}, {transform_indices = @transform_6, window_bounds = array<i64: 1024, 121>}]} {
    %get3A = arith.constant 0 : index
    %get3A_0 = arith.constant 0 : index
    %get3A_1 = arith.constant 0 : index
    %get3A_2 = vector.load %arg1[%get3A, %get3A_0, %get3A_1] : memref<2x1024x128xf32, #tpu.memory_space<vmem>>, vector<1x1024x128xf32>
    %get3A_3 = vector.shape_cast %get3A_2 : vector<1x1024x128xf32> to vector<1024x128xf32>
    %get3A_4 = arith.constant 1 : index
    %get3A_5 = arith.constant 0 : index
    %get3A_6 = arith.constant 0 : index
    %get3A_7 = vector.load %arg1[%get3A_4, %get3A_5, %get3A_6] : memref<2x1024x128xf32, #tpu.memory_space<vmem>>, vector<1x1024x128xf32>
    %get3A_8 = vector.shape_cast %get3A_7 : vector<1x1024x128xf32> to vector<1024x128xf32>
    %add3A = arith.addf %get3A_3, %get3A_8 : vector<1024x128xf32>
    %get3A_9 = arith.constant 0 : index
    %get3A_10 = arith.constant 0 : index
    %get3A_11 = arith.constant 0 : index
    %get3A_12 = vector.load %arg2[%get3A_9, %get3A_10, %get3A_11] : memref<2x1024x128xf32, #tpu.memory_space<vmem>>, vector<1x1024x1xf32>
    %get3A_13 = vector.shape_cast %get3A_12 : vector<1x1024x1xf32> to vector<1024x1xf32>
    %get3A_14 = arith.constant 1 : index
    %get3A_15 = arith.constant 0 : index
    %get3A_16 = arith.constant 0 : index
    %get3A_17 = vector.load %arg2[%get3A_14, %get3A_15, %get3A_16] : memref<2x1024x128xf32, #tpu.memory_space<vmem>>, vector<1x1024x1xf32>
    %get3A_18 = vector.shape_cast %get3A_17 : vector<1x1024x1xf32> to vector<1024x1xf32>
    %add3A_19 = arith.addf %get3A_13, %get3A_18 : vector<1024x1xf32>
    %max3A = arith.constant 1.000000e+00 : f32
    %max3A_20 = vector.broadcast %max3A : f32 to vector<1024x1xf32>
    %max3A_21 = arith.maximumf %add3A_19, %max3A_20 : vector<1024x1xf32>
    %div3A = vector.broadcast %max3A_21 : vector<1024x1xf32> to vector<1024x128xf32>
    %div3A_22 = arith.divf %add3A, %div3A : vector<1024x128xf32>
    %get3A_23 = arith.constant 0 : index
    %get3A_24 = arith.constant 0 : index
    %get3A_25 = vector.load %arg4[%get3A_23, %get3A_24] : memref<121x128xf32, #tpu.memory_space<vmem>>, vector<121x128xf32>
    %dot_general3A = arith.constant dense<0.000000e+00> : vector<1024x121xf32>
    %dot_general3A_26 = tpu.matmul %div3A_22, %get3A_25, %dot_general3A {dimension_numbers = #tpu.dot_dimension_numbers<[1], [1], [0], [0], [0, 0, 1, 0], [], []>, transpose_lhs_hint = false} : vector<1024x128xf32>, vector<121x128xf32>, vector<1024x121xf32> -> vector<1024x121xf32>
    %get3A_27 = arith.constant 0 : index
    %get3A_28 = arith.constant 0 : index
    %get3A_29 = vector.load %arg5[%get3A_27, %get3A_28] : memref<1x121xf32, #tpu.memory_space<vmem>>, vector<1x121xf32>
    %add3A_30 = vector.broadcast %get3A_29 : vector<1x121xf32> to vector<1024x121xf32>
    %add3A_31 = arith.addf %dot_general3A_26, %add3A_30 : vector<1024x121xf32>
    %get3A_32 = arith.constant 0 : index
    %get3A_33 = arith.constant 0 : index
    %get3A_34 = vector.load %arg3[%get3A_32, %get3A_33] : memref<1024x128xf32, #tpu.memory_space<vmem>>, vector<1024x128xf32>
    %get3A_35 = arith.constant 0 : index
    %get3A_36 = arith.constant 0 : index
    %get3A_37 = vector.load %arg6[%get3A_35, %get3A_36] : memref<121x128xf32, #tpu.memory_space<vmem>>, vector<121x128xf32>
    %dot_general3A_38 = arith.constant dense<0.000000e+00> : vector<1024x121xf32>
    %dot_general3A_39 = tpu.matmul %get3A_34, %get3A_37, %dot_general3A_38 {dimension_numbers = #tpu.dot_dimension_numbers<[1], [1], [0], [0], [0, 0, 1, 0], [], []>, transpose_lhs_hint = false} : vector<1024x128xf32>, vector<121x128xf32>, vector<1024x121xf32> -> vector<1024x121xf32>
    %add3A_40 = arith.addf %add3A_31, %dot_general3A_39 : vector<1024x121xf32>
    %swap3A = arith.constant 0 : index
    %swap3A_41 = arith.constant 0 : index
    %swap3A_42 = vector.load %arg7[%swap3A, %swap3A_41] : memref<1024x121xf32, #tpu.memory_space<vmem>>, vector<1024x121xf32>
    tpu.vector_store %arg7[%swap3A, %swap3A_41], %add3A_40 {strides = array<i32>} : memref<1024x121xf32, #tpu.memory_space<vmem>>, vector<1024x121xf32>,
    return
  }
  func.func @transform_0(%arg0: i32) -> (i32, i32, i32) {
    %c0_i32 = arith.constant 0 : i32
    %c0_i32_0 = arith.constant 0 : i32
    %c0_i32_1 = arith.constant 0 : i32
    return %c0_i32, %arg0, %c0_i32_0 : i32, i32, i32
  }
  func.func @transform_1(%arg0: i32) -> (i32, i32, i32) {
    %c0_i32 = arith.constant 0 : i32
    %c0_i32_0 = arith.constant 0 : i32
    %c0_i32_1 = arith.constant 0 : i32
    return %c0_i32, %arg0, %c0_i32_0 : i32, i32, i32
  }
  func.func @transform_2(%arg0: i32) -> (i32, i32) {
    %c0_i32 = arith.constant 0 : i32
    %c0_i32_0 = arith.constant 0 : i32
    return %arg0, %c0_i32 : i32, i32
  }
  func.func @transform_3(%arg0: i32) -> (i32, i32) {
    %c0_i32 = arith.constant 0 : i32
    %c0_i32_0 = arith.constant 0 : i32
    %c0_i32_1 = arith.constant 0 : i32
    return %c0_i32, %c0_i32_0 : i32, i32
  }
  func.func @transform_4(%arg0: i32) -> (i32, i32) {
    %c0_i32 = arith.constant 0 : i32
    %c0_i32_0 = arith.constant 0 : i32
    %c0_i32_1 = arith.constant 0 : i32
    return %c0_i32, %c0_i32_0 : i32, i32
  }
  func.func @transform_5(%arg0: i32) -> (i32, i32) {
    %c0_i32 = arith.constant 0 : i32
    %c0_i32_0 = arith.constant 0 : i32
    %c0_i32_1 = arith.constant 0 : i32
    return %c0_i32, %c0_i32_0 : i32, i32
  }
  func.func @transform_6(%arg0: i32) -> (i32, i32) {
    %c0_i32 = arith.constant 0 : i32
    %c0_i32_0 = arith.constant 0 : i32
    return %arg0, %c0_i32 : i32, i32
  }
}

</mosaic_0001>

<sc_bundles>
// kernel: kernel.10.cloned.1.call-start
scs
__scs_entry_jumppad:
0x0: {  	(pc) =	sbr.rel $0x88, $3  }
0x1: {  	(tag) =	ssettag $0x0;
	lr =	simm.s32 $0x1  }
0x2: {  	[smem:$0x3F99] =	sst lr;
	_ =	strace $0xD0000000  }
0x3: {  	_ = 	snop  }
0x4: {  	_ = 	snop  }
0x5: {  	_ = 	snop  }
0x6: {  	_ = 	snop  }
0x7: {  	_ = 	snop  }
__scs_overlays_trampoline_lowered:
0x8: {  	[smem:$0x3FA8] =	sst s0  }
0x9: {  	[smem:$0x3FA9] =	sst s1  }
0xa: {  	[smem:$0x3FAA] =	sst s2  }
0xb: {  	[smem:$0x3FAB] =	sst s3  }
0xc: {  	[smem:$0x3FAC] =	sst s4  }
0xd: {  	[smem:$0x3FAD] =	sst s5  }
0xe: {  	[smem:$0x3FAE] =	sst s6  }
0xf: {  	[smem:$0x3FAF] =	sst s7  }
0x10: {  	[smem:$0x3FB0] =	sst s8  }
0x11: {  	[smem:$0x3FB1] =	sst s9;
	s0 =	simm.s32 @!p0 $0x0  }
0x12: {  	s1 =	sld [smem:$0x3F97];
	s0 =	simm.s32 @p0 $0x1  }
0x13: {  	[smem:$0x3FB2] =	sst s0;
	s0 =	simm.s32 @!p1 $0x0  }
0x14: {  	s2 =	sld [smem:$0x3F96];
	s0 =	simm.s32 @p1 $0x1  }
0x15: {  	[smem:$0x3FB3] =	sst s0;
	s0 =	simm.s32 @!p2 $0x0  }
0x16: {  	s3 =	sld [smem:$0x3FDB];
	s0 =	simm.s32 @p2 $0x1  }
0x17: {  	s4 =	simm.s32 $0x1BF5;
	[smem:$0x3FB5] =	sst s0  }
0x18: {  	s0 =	sld [smem:$0x3F98];
	_ =	swait.ge [sflag:s4], $0x0  }
0x19: {  	s7 =	sld [smem:$0x3F99]  }
0x1a: {  	s8 =	sadd.s32 $0xFFFFE003, lr  }
0x1b: {  	s9 =	sadd.s32 $0xFFFFFEF7, lr;
	s5 =	simm.s32 $0xFFFFFFFF;
	p2 =	slt.u32 s8, $0xFFFFF086  }
0x1c: {  	p1 =	slt.u32 s9, $0xF7A;
	s5 =	simm.s32 @!p2 $0x0  }
0x1d: {  	s5 =	simm.s32 @p1 $0x1;
	p0 =	seq.s32 s7, s2  }
0x1e: {  	s7 =	smul.u32 @!p0 $0xF7A, s2;
	p2 =	seq.s32 @!p0 s5, $0x0  }
0x1f: {  	s9 =	smul.u32 $0xF7A, s1;
	s8 =	simm.s32 @!p0 $0x1BF5;
	p2 =	por !p2, p0  }
0x20: {  	[sflag:s8] =	ssyncset.s32 @!p0 $0xFFFFF086;
	s6 =	sadd.s32 @!p0 s3, s7;
	s7 =	simm.s32 @!p0 $0x108  }
0x21: {  	s3 =	sadd.s32 s3, s9;
	s6 =	sadd.s32 @!p0 $0x88, s6;
	s7 =	simm.s32 @p2 $0x1082  }
0x22: {  	[simem:s7], [sflag:s8] =	dma.local @!p0 [hbm:s6], $0xF7A  }
0x23: {  	s9 =	sor.u32 $0xD0000000, s2;
	s6 =	simm.s32 $0x108;
	_ =	swait.ge @!p0 [sflag:s8], $0x0  }
0x24: {  	s3 =	sadd.s32 $0x88, s3;
	s6 =	simm.s32 @!p1 $0x1082;
	[sflag:s4] =	ssyncset.s32 $0xFFFFF086  }
0x25: {  	[simem:s6], [sflag:s4] =	dma.local [hbm:s3], $0xF7A  }
0x26: {  	[smem:$0x3F99] =	sst s1;
	(tag) =	ssettag s2;
	_ =	strace s9  }
0x27: {  	s1 =	sld [smem:$0x3FA9]  }
0x28: {  	s2 =	sld [smem:$0x3FAA]  }
0x29: {  	s4 =	sld [smem:$0x3FAC]  }
0x2a: {  	p0 =	seq.s32 s5, $0x0;
	s5 =	sld [smem:$0x3FAD]  }
0x2b: {  	s6 =	sld [smem:$0x3FAE]  }
0x2c: {  	s7 =	sld [smem:$0x3FAF]  }
0x2d: {  	s3 =	simm.s32 $0x108;
	s8 =	sld [smem:$0x3FB0]  }
0x2e: {  	s3 =	simm.s32 @!p0 $0x1082;
	s9 =	sld [smem:$0x3FB1]  }
0x2f: {  	lr =	sadd.s32 s0, s3;
	s0 =	sld [smem:$0x3FA8]  }
0x30: {  	s3 =	sld [smem:$0x3FAB]  }
0x31: {  	[smem:$0x3FB4] =	sst s10  }
0x32: {  	s10 =	sld [smem:$0x3FB2];
	_ =	sdelay $0x3  }
0x33: {  	p0 =	seq.s32 s10, $0x1;
	s10 =	sld [smem:$0x3FB4];
	_ =	sdelay $0x3  }
0x34: {  	[smem:$0x3FB4] =	sst s10  }
0x35: {  	s10 =	sld [smem:$0x3FB3];
	_ =	sdelay $0x3  }
0x36: {  	p1 =	seq.s32 s10, $0x1;
	s10 =	sld [smem:$0x3FB4];
	_ =	sdelay $0x3  }
0x37: {  	[smem:$0x3FB4] =	sst s10  }
0x38: {  	s10 =	sld [smem:$0x3FB5]  }
0x39: {  	_ = 	snop;
	(pc) =	sbr.ind lr, $3  }
0x3a: {  	_ = 	snop  }
0x3b: {  	_ = 	snop  }
0x3c: {  	p2 =	seq.s32 s10, $0x1;
	s10 =	sld [smem:$0x3FB4]  }
0x3d: {  	_ =	shalt  }
0x3e: {  	_ =	shalt  }
0x3f: {  	_ =	shalt  }
0x40: {  	_ =	shalt  }
0x41: {  	_ =	shalt  }
0x42: {  	_ =	shalt  }
0x43: {  	_ =	shalt  }
0x44: {  	_ =	shalt  }
0x45: {  	_ =	shalt  }
0x46: {  	_ =	shalt  }
0x47: {  	_ =	shalt  }
0x48: {  	_ =	shalt  }
0x49: {  	_ =	shalt  }
0x4a: {  	_ =	shalt  }
0x4b: {  	_ =	shalt  }
0x4c: {  	_ =	shalt  }
0x4d: {  	_ =	shalt  }
0x4e: {  	_ =	shalt  }
0x4f: {  	_ =	shalt  }
0x50: {  	_ =	shalt  }
0x51: {  	_ =	shalt  }
0x52: {  	_ =	shalt  }
0x53: {  	_ =	shalt  }
0x54: {  	_ =	shalt  }
0x55: {  	_ =	shalt  }
0x56: {  	_ =	shalt  }
0x57: {  	_ =	shalt  }
0x58: {  	_ =	shalt  }
0x59: {  	_ =	shalt  }
0x5a: {  	_ =	shalt  }
0x5b: {  	_ =	shalt  }
0x5c: {  	_ =	shalt  }
0x5d: {  	_ =	shalt  }
0x5e: {  	_ =	shalt  }
0x5f: {  	_ =	shalt  }
0x60: {  	_ =	shalt  }
0x61: {  	_ =	shalt  }
0x62: {  	_ =	shalt  }
0x63: {  	_ =	shalt  }
0x64: {  	_ =	shalt  }
0x65: {  	_ =	shalt  }
0x66: {  	_ =	shalt  }
0x67: {  	_ =	shalt  }
0x68: {  	_ =	shalt  }
0x69: {  	_ =	shalt  }
0x6a: {  	_ =	shalt  }
0x6b: {  	_ =	shalt  }
0x6c: {  	_ =	shalt  }
0x6d: {  	_ =	shalt  }
0x6e: {  	_ =	shalt  }
0x6f: {  	_ =	shalt  }
0x70: {  	_ =	shalt  }
0x71: {  	_ =	shalt  }
0x72: {  	_ =	shalt  }
0x73: {  	_ =	shalt  }
0x74: {  	_ =	shalt  }
0x75: {  	_ =	shalt  }
0x76: {  	_ =	shalt  }
0x77: {  	_ =	shalt  }
0x78: {  	_ =	shalt  }
0x79: {  	_ =	shalt  }
0x7a: {  	_ =	shalt  }
0x7b: {  	_ =	shalt  }
0x7c: {  	_ =	shalt  }
0x7d: {  	_ =	shalt  }
0x7e: {  	_ =	shalt  }
0x7f: {  	_ =	shalt  }
0x80: {  	_ =	shalt  }
0x81: {  	_ =	shalt  }
0x82: {  	_ =	shalt  }
0x83: {  	_ =	shalt  }
0x84: {  	_ =	shalt  }
0x85: {  	_ =	shalt  }
0x86: {  	_ =	shalt  }
0x87: {  	_ =	shalt  }
.Lfunc_end0:
.L_simem_size_0:
called_computation.1_lowered:
.L_overlay_start_0:
0x88: {  	s2 =	sld [smem:$0x3FD9]  }
0x89: {  	s3 =	sld [smem:$0x3FFE];
	_ =	sdelay $0x1  }
0x8a: {  	s1 =	srdreg.scid  }
0x8b: {  	s0 =	sand.u32 $0x1, s1  }
0x8c: {  	s17 =	sshll.u32 s0, $0xA;
	s2 =	sadd.s32 s3, s2  }
0x8d: {  	s2 =	sadd.s32 s2, s17  }
0x8e: {  	[smem:$0x3FC0] =	sst s2  }
0x8f: {  	_ = 	snop  }
0x90: {  	s2 =	sld [smem:$0x3FD0];
	(tm) =	ssettm $0x1  }
0x91: {  	s18 =	sld [smem:$0x3FFB];
	_ =	sdelay $0x3  }
0x92: {  	_ =	strace s18  }
0x93: {  	s3 =	sld [smem:$0x3FFC];
	_ =	sdelay $0x3  }
0x94: {  	_ =	strace s3  }
0x95: {  	s3 =	sld [smem:$0x3FFD];
	_ =	sdelay $0x3  }
0x96: {  	_ =	strace s3  }
0x97: {  	_ =	strace $0x8FFFFFFF  }
0x98: {  	s19 =	sld [smem:$0x3FDB];
	_ =	sdelay $0x1  }
0x99: {  	s4 =	simm.s32 $_scs_section_size  }
0x9a: {  	s5 =	simm.s32 $_size__tile_overlayer_lowered;
	s6 =	simm.s32 $_tile_overlayer_lowered  }
0x9b: {  	s22 =	simm.s32 $0x1BFF;
	s21 =	sshll.u32 s6, $0x1;
	s3 =	sadd.s32 s4, s19  }
0x9c: {  	s7 =	simm.s32 $0x0;
	s20 =	sshll.u32 s5, $0x1;
	s5 =	sadd.s32 s21, s3  }
0x9d: {  	[timem:s7], [sflag:s22] =	dma.local [hbm:s5], s20  }
0x9e: {  	_ =	swait.ge [sflag:s22], s20  }
0x9f: {  	s4 =	ssub.s32 $0x0, s20;
	[sflag:s22] =	ssyncset.done $0x0  }
0xa0: {  	[sflag:s22] =	ssyncadd.s32 s4;
	_ =	sdelay $0x1  }
0xa1: {  	s23 =	simm.s32 $0x1B8B  }
0xa2: {  	_ =	swait.ge [sflag:s23], $0x1  }
0xa3: {  	[sflag:s23] =	ssyncset.done $0x0  }
0xa4: {  	s25 =	simm.s32 $0x1B8E;
	s24 =	sld [smem:$0x3FFE];
	[sflag:s23] =	ssyncadd.s32 $0xFFFFFFFF  }
0xa5: {  	s26 =	simm.s32 $execute0_lowered;
	[smem:$0x3FD2] =	sst s25  }
0xa6: {  	s5 =	sshll.u32 s26, $0x1;
	_ =	strace $0x80000049;
	[dreg:$0x1] =	wrdreg $0xFFFFFFFF  }
0xa7: {  	s28 =	simm.s32 $_size_execute0_lowered;
	s3 =	sadd.s32 s3, s5;
	[dreg:$0x0] =	wrdreg $0x0  }
0xa8: {  	s5 =	sshll.u32 s28, $0x1;
	[dreg:$0x2] =	wrdreg s3  }
0xa9: {  	[dreg:$0x3] =	wrdreg s5  }
0xaa: {  	[dreg:$0x4] =	wrdreg $0xC0  }
0xab: {  	_ =	task [dreg:s7], $0x5FFFF  }
0xac: {  	[dreg:$0x1] =	wrdreg $0xFFFFFFFF  }
0xad: {  	[dreg:$0x0] =	wrdreg $0x60  }
0xae: {  	[dreg:$0x2] =	wrdreg s24  }
0xaf: {  	[dreg:$0x3] =	wrdreg s2  }
0xb0: {  	[dreg:$0x4] =	wrdreg $0x52000  }
0xb1: {  	[dreg:$0x5] =	wrdreg $0x9  }
0xb2: {  	_ =	task.clear_ibuf [dreg:s7], $0x6FFFF;
	_ =	strace $0x90000049  }
0xb3: {  	s29 =	simm.s32 $0x9;
	_ =	strace $0x8000004B  }
0xb4: {  	_ =	swait.ge [sflag:s29], $0x1  }
0xb5: {  	[sflag:s29] =	ssyncadd.s32 $0xFFFFFFFF  }
0xb6: {  	_ =	strace $0x9000004B  }
0xb7: {  	_ =	sfence  }
0xb8: {  	s30 =	sld [smem:$0x0];
	_ =	sdelay $0x2  }
0xb9: {  	s31 =	sshll.u32 s1, $0xD;
	s1 =	sshrl.u32 s1, $0x2  }
0xba: {  	s3 =	sand.u32 $0x4000, s31;
	s1 =	sadd.s32 s1, s30  }
0xbb: {  	s0 =	sor.u32 s3, s0;
	s1 =	sshll.u32 s1, $0x11  }
0xbc: {  	s0 =	sor.u32 s1, s0  }
0xbd: {  	s0 =	sadd.s32 $0x8F2B, s0  }
0xbe: {  	[sflag:s0] =	ssyncadd.remote.s32 $0x1  }
0xbf: {  	_ =	sfence.sel $0xFFFF  }
0xc0: {  	[dreg:$0x0] =	wrdreg $0xFFFFFFFF;
	(pc) =	sbr.abs _section_cstart, $3  }
0xc1: {  	[dreg:$0x1] =	wrdreg $0xFFFFFFFF  }
0xc2: {  	_ =	task.clear_ibuf [dreg:s7], $0x2FFFF;
	_ =	strace $0x9FFFFFFF  }
0xc3: {  	(tm) =	ssettm $0x7FFFFFFF  }
tec
execute0_lowered:
.L_overlay_start_1:
0x0: {  	(tag) =	ssettag $0x1  }
0x1: {  	s0 =	rddreg [dreg:$0x0]  }
0x2: {  	s2 =	rddreg [dreg:$0x1]  }
0x3: {  	s3 =	rddreg [dreg:$0x2]  }
0x4: {  	s1 =	stileid.u32;
	s5 =	srdreg.scid;
	s4 =	simm.s32 $0x0  }
0x5: {  	s28 =	simm.s32 $0x1;
	s29 =	simm.s32 $0x2;
	s6 =	smul.u32 $0x14000, s1  }
0x6: {  	s30 =	simm.s32 $0x0;
	s13 =	sand.u32 $0x1, s5;
	s10 =	smul.u32 $0x50000, s1  }
0x7: {  	[smem:$0x7FF] =	sst s4;
	s5 =	sadd.s32 $0xAC000, s0;
	s18 =	smul.u32 $0x7D, s1  }
0x8: {  	s23 =	sshll.u32 s1, $0x6;
	s7 =	smul.u32 $0x140000, s13;
	_ =	strace $0x8000004A  }
0x9: {  	s9 =	ssub.s32 $0x2, s13;
	s11 =	sshll.u32 s13, $0x4;
	s17 =	smul.u32 $0x7D0, s13  }
0xa: {  	s19 =	smul.u32 $0x4E20, s13;
	s8 =	sshrl.u32 s6, $0x3;
	s11 =	sor.u32 s1, s11  }
0xb: {  	s20 =	sshrl.u32 s9, $0x1;
	s21 =	sshrl.u32 s10, $0x2;
	s22 =	smul.u32 $0x7D, s11  }
0xc: {  	s7 =	sadd.s32 s6, s7;
	s6 =	sadd.s32 $0x2200, s0;
	s12 =	smul.u32 $0x2710, s11  }
0xd: {  	s8 =	sadd.s32 s8, s0;
	s15 =	ssub.s32 s9, s20;
	s11 =	smul.u32 $0x4E2, s11  }
0xe: {  	s16 =	sadd.s32 s21, s3;
	s20 =	smul.u32 $0x4E2, s1;
	s25 =	sadd.s32 s18, s17  }
0xf: {  	s31 =	sadd.s32 s19, s2;
	s21 =	simm.s32 $0x80;
	s7 =	sshrl.u32 s7, $0x3  }
0x10: {  	s24 =	sadd.s32 $0xC000, s8;
	s8 =	sor.u32 $0x1C03, s23;
	s15 =	smax.u32 s15, $0x1  }
0x11: {  	s26 =	sadd.s32 s19, s6;
	s19 =	sshrl.u32 s16, $0x3;
	s23 =	simm.s32 $0x200  }
0x12: {  	s0 =	sadd.s32 s7, s0;
	[dreg:$0x4] =	wrdreg s24;
	s9 =	sadd.s32 $0x7C, s22  }
0x13: {  	s12 =	sshrl.u32 s12, $0x3;
	s10 =	sadd.s32 s6, s11;
	s11 =	sadd.s32 s2, s11  }
0x14: {  	s17 =	sadd.s32 s20, s26;
	s18 =	sadd.s32 s20, s31;
	s20 =	simm.s32 $0x3  }
0x15: {  	s22 =	simm.s32 $0x50;
	s24 =	simm.s32 $0x100;
	s14 =	sadd.s32 $0xA, s12  }
0x16: {  	s26 =	simm.s32 $0x2A00;
	s12 =	sadd.s32 s6, s14;
	s13 =	sadd.s32 s2, s14  }
0x17: {  	s14 =	sadd.s32 $0xD4000, s0;
	s0 =	sadd.s32 $0x3, s25;
	s25 =	simm.s32 $0x180  }
.LBB2_1:
0x18: {  	s1 =	rddreg [dreg:$0x4]  }
0x19: {  	[spmem:s19], [sflag:s8] =	dma.local [hbm:s1], $0x2800  }
0x1a: {  	_ =	swait.ge [sflag:s20], $0x2800  }
0x1b: {  	[sflag:s20] =	ssyncset.done $0x0  }
0x1c: {  	[sflag:s20] =	ssyncadd.s32 $0xFFFFD800  }
0x1d: {  	[bflag:$0x0] =	sbarrier.arrive $0xFFFF  }
0x1e: {  	[tilespmem:s4], [sflag:$0x3] =	stream.linear.gather [hbm4b:s10+s4], $0x50, $0x38;
	[tilespmem:$0x19200] =	vst v63  }
0x1f: {  	_ =	swait.ge [sflag:s20], $0x50  }
0x20: {  	[sflag:s20] =	ssyncset.done $0x0  }
0x21: {  	[sflag:s20] =	ssyncadd.s32 $0xFFFFFFB0  }
0x22: {  	[tilespmem:s21], [sflag:$0x3] =	stream.linear.gather [hbm4b:s11+s4], $0x50, $0x38;
	[tilespmem:$0x19200] =	vst v63  }
0x23: {  	_ =	swait.ge [sflag:s20], $0x50  }
0x24: {  	[sflag:s20] =	ssyncset.done $0x0  }
0x25: {  	[sflag:s20] =	ssyncadd.s32 $0xFFFFFFB0  }
0x26: {  	[tilespmem:s23], [sflag:$0x1] =	stream.indirect.gather [hbm4b:s5+s22], $0x80, s4, s22, $0xb8;
	[tilespmem:$0x19200] =	vst v63  }
0x27: {  	_ = 	snop  }
0x28: {  	[tilespmem:s24], [sflag:$0x3] =	stream.linear.gather [hbm4b:s12+s4], $0x50, $0x38;
	[tilespmem:$0x19200] =	vst v63  }
0x29: {  	_ =	swait.ge [sflag:s20], $0x50  }
0x2a: {  	[sflag:s20] =	ssyncset.done $0x0  }
0x2b: {  	[sflag:s20] =	ssyncadd.s32 $0xFFFFFFB0  }
0x2c: {  	[tilespmem:s25], [sflag:$0x3] =	stream.linear.gather [hbm4b:s13+s4], $0x50, $0x38;
	[tilespmem:$0x19200] =	vst v63  }
0x2d: {  	_ =	swait.ge [sflag:s20], $0x50  }
0x2e: {  	[sflag:s20] =	ssyncset.done $0x0  }
0x2f: {  	[sflag:s20] =	ssyncadd.s32 $0xFFFFFFB0  }
0x30: {  	[tilespmem:s26], [sflag:$0x2] =	stream.indirect.gather [hbm4b:s5+s22], $0x80, s24, s22, $0xb8;
	[tilespmem:$0x19200] =	vst v63  }
0x31: {  	_ =	swait.ge [sflag:s28], $0x2800  }
0x32: {  	[sflag:s28] =	ssyncset.done $0x0  }
0x33: {  	[sflag:s28] =	ssyncadd.s32 $0xFFFFD800  }
0x34: {  	[spmem:s3] =	stream.indirect.scatter.add.f32 [tilespmem:s23], [sflag:$0x3], $0x80, s21, s22, $0xb8;
	[tilespmem:$0x19200] =	vst v63  }
0x35: {  	_ =	swait.ge [sflag:s20], $0x2800  }
0x36: {  	[sflag:s20] =	ssyncset.done $0x0  }
0x37: {  	s16 =	sadd.s32 $0x14, s17;
	[sflag:s20] =	ssyncadd.s32 $0xFFFFD800  }
0x38: {  	[tilespmem:s4], [sflag:$0x3] =	stream.linear.gather [hbm4b:s16+s4], $0x50, $0x38;
	[tilespmem:$0x19200] =	vst v63  }
0x39: {  	_ =	swait.ge [sflag:s20], $0x50  }
0x3a: {  	[sflag:s20] =	ssyncset.done $0x0  }
0x3b: {  	s7 =	sadd.s32 $0x14, s18;
	[sflag:s20] =	ssyncadd.s32 $0xFFFFFFB0  }
0x3c: {  	[tilespmem:s21], [sflag:$0x3] =	stream.linear.gather [hbm4b:s7+s4], $0x50, $0x38;
	[tilespmem:$0x19200] =	vst v63  }
0x3d: {  	_ =	swait.ge [sflag:s20], $0x50  }
0x3e: {  	[sflag:s20] =	ssyncset.done $0x0  }
0x3f: {  	[sflag:s20] =	ssyncadd.s32 $0xFFFFFFB0  }
0x40: {  	[tilespmem:s23], [sflag:$0x1] =	stream.indirect.gather [hbm4b:s5+s22], $0x80, s4, s22, $0xb8;
	[tilespmem:$0x19200] =	vst v63  }
0x41: {  	_ =	swait.ge [sflag:s29], $0x2800  }
0x42: {  	p0 =	slt.s32 s0, s9;
	s16 =	smov.u32 s9;
	[sflag:s29] =	ssyncset.done $0x0  }
0x43: {  	s16 =	smov.u32 @p0 s0;
	[sflag:s29] =	ssyncadd.s32 $0xFFFFD800  }
0x44: {  	[spmem:s3] =	stream.indirect.scatter.add.f32 [tilespmem:s26], [sflag:$0x3], $0x80, s25, s22, $0xb8;
	[tilespmem:$0x19200] =	vst v63  }
0x45: {  	s16 =	smul.u32 $0xA, s16;
	_ =	swait.ge [sflag:s20], $0x2800  }
0x46: {  	[sflag:s20] =	ssyncset.done $0x0  }
0x47: {  	s31 =	sadd.s32 s6, s16;
	[sflag:s20] =	ssyncadd.s32 $0xFFFFD800  }
0x48: {  	[tilespmem:s24], [sflag:$0x3] =	stream.linear.gather [hbm4b:s31+s4], $0x50, $0x38;
	[tilespmem:$0x19200] =	vst v63  }
0x49: {  	_ =	swait.ge [sflag:s20], $0x50  }
0x4a: {  	[sflag:s20] =	ssyncset.done $0x0  }
0x4b: {  	s16 =	sadd.s32 s2, s16;
	[sflag:s20] =	ssyncadd.s32 $0xFFFFFFB0  }
0x4c: {  	[tilespmem:s25], [sflag:$0x3] =	stream.linear.gather [hbm4b:s16+s4], $0x50, $0x38;
	[tilespmem:$0x19200] =	vst v63  }
0x4d: {  	s31 =	simm.s32 $0x28;
	s16 =	smov.u32 s0;
	_ =	swait.ge [sflag:s20], $0x50  }
.LBB2_2:
0x4e: {  	p0 =	sne.s32 s31, $0x4D8;
	[sflag:s20] =	ssyncset.done $0x0;
	s16 =	sadd.s32 $0x2, s16  }
0x4f: {  	s1 =	smov.u32 s31;
	s31 =	sadd.s32 $0x14, s31;
	[sflag:s20] =	ssyncadd.s32 $0xFFFFFFB0  }
0x50: {  	[tilespmem:s26], [sflag:$0x2] =	stream.indirect.gather [hbm4b:s5+s22], $0x80, s24, s22, $0xb8;
	[tilespmem:$0x19200] =	vst v63  }
0x51: {  	_ =	swait.ge [sflag:s28], $0x2800  }
0x52: {  	[sflag:s28] =	ssyncset.done $0x0  }
0x53: {  	[sflag:s28] =	ssyncadd.s32 $0xFFFFD800  }
0x54: {  	[spmem:s3] =	stream.indirect.scatter.add.f32 [tilespmem:s23], [sflag:$0x3], $0x80, s21, s22, $0xb8;
	[tilespmem:$0x19200] =	vst v63  }
0x55: {  	_ =	swait.ge [sflag:s20], $0x2800  }
0x56: {  	[sflag:s20] =	ssyncset.done $0x0  }
0x57: {  	s7 =	sadd.s32 s1, s17;
	[sflag:s20] =	ssyncadd.s32 $0xFFFFD800  }
0x58: {  	[tilespmem:s4], [sflag:$0x3] =	stream.linear.gather [hbm4b:s7+s4], $0x50, $0x38;
	[tilespmem:$0x19200] =	vst v63  }
0x59: {  	_ =	swait.ge [sflag:s20], $0x50  }
0x5a: {  	[sflag:s20] =	ssyncset.done $0x0  }
0x5b: {  	s1 =	sadd.s32 s1, s18;
	[sflag:s20] =	ssyncadd.s32 $0xFFFFFFB0  }
0x5c: {  	[tilespmem:s21], [sflag:$0x3] =	stream.linear.gather [hbm4b:s1+s4], $0x50, $0x38;
	[tilespmem:$0x19200] =	vst v63  }
0x5d: {  	_ =	swait.ge [sflag:s20], $0x50  }
0x5e: {  	[sflag:s20] =	ssyncset.done $0x0  }
0x5f: {  	[sflag:s20] =	ssyncadd.s32 $0xFFFFFFB0  }
0x60: {  	[tilespmem:s23], [sflag:$0x1] =	stream.indirect.gather [hbm4b:s5+s22], $0x80, s4, s22, $0xb8;
	[tilespmem:$0x19200] =	vst v63  }
0x61: {  	_ =	swait.ge [sflag:s29], $0x2800  }
0x62: {  	[sflag:s29] =	ssyncset.done $0x0  }
0x63: {  	p1 =	slt.s32 s16, s9;
	s1 =	smov.u32 s9;
	[sflag:s29] =	ssyncadd.s32 $0xFFFFD800  }
0x64: {  	[spmem:s3] =	stream.indirect.scatter.add.f32 [tilespmem:s26], [sflag:$0x3], $0x80, s25, s22, $0xb8;
	[tilespmem:$0x19200] =	vst v63  }
0x65: {  	s1 =	smov.u32 @p1 s16;
	_ =	swait.ge [sflag:s20], $0x2800  }
0x66: {  	s1 =	smul.u32 $0xA, s1;
	[sflag:s20] =	ssyncset.done $0x0  }
0x67: {  	[sflag:s20] =	ssyncadd.s32 $0xFFFFD800  }
0x68: {  	s7 =	sadd.s32 s6, s1  }
0x69: {  	[tilespmem:s24], [sflag:$0x3] =	stream.linear.gather [hbm4b:s7+s4], $0x50, $0x38;
	[tilespmem:$0x19200] =	vst v63  }
.Ltmp0:
0x6a: {  	_ =	swait.ge [sflag:s20], $0x50;
	(pc) =	sbr.rel @p0 .LBB2_2-.Ltmp0, $4  }
0x6b: {  	s1 =	sadd.s32 s2, s1;
	[sflag:s20] =	ssyncset.done $0x0  }
0x6c: {  	[sflag:s20] =	ssyncadd.s32 $0xFFFFFFB0  }
0x6d: {  	[tilespmem:s25], [sflag:$0x3] =	stream.linear.gather [hbm4b:s1+s4], $0x50, $0x38;
	[tilespmem:$0x19200] =	vst v63  }
0x6e: {  	_ =	swait.ge [sflag:s20], $0x50  }
0x6f: {  	[sflag:s20] =	ssyncset.done $0x0  }
0x70: {  	[sflag:s20] =	ssyncadd.s32 $0xFFFFFFB0  }
0x71: {  	_ =	swait.ge [sflag:s28], $0x2800  }
0x72: {  	[sflag:s28] =	ssyncset.done $0x0  }
0x73: {  	[sflag:s28] =	ssyncadd.s32 $0xFFFFD800  }
0x74: {  	[spmem:s3] =	stream.indirect.scatter.add.f32 [tilespmem:s23], [sflag:$0x3], $0x80, s21, s22, $0xb8;
	[tilespmem:$0x19200] =	vst v63  }
0x75: {  	_ =	swait.ge [sflag:s20], $0x2800  }
0x76: {  	s30 =	sadd.s32 $0x1, s30;
	[sflag:s20] =	ssyncset.done $0x0  }
0x77: {  	p0 =	sne.s32 s30, s15;
	[sflag:s20] =	ssyncadd.s32 $0xFFFFD800  }
.Ltmp1:
0x78: {  	[bflag:$0x0] =	sbarrier.arrive $0xFFFF;
	(pc) =	sbr.rel @p0 .LBB2_1-.Ltmp1, $4  }
0x79: {  	[hbm:s14], [sflag:s8] =	dma.local [spmem:s19], $0x2800  }
0x7a: {  	_ =	swait.ge [sflag:s20], $0x2800  }
0x7b: {  	[sflag:s20] =	ssyncset.done $0x0  }
0x7c: {  	[sflag:s20] =	ssyncadd.s32 $0xFFFFD800  }
0x7d: {  	_ =	sfence.sel $0x180000  }
0x7e: {  	[bflag:$0x0] =	sbarrier.arrive $0xFFFF  }
0x7f: {  	_ =	strace $0x9000004A  }
0x80: {  	s0 =	stileid.u32;
	[bflag:$0x2] =	sbarrier.arrive $0xFFFF  }
0x81: {  	p0 =	sne.s32 s0, $0x0;
	s0 =	rddreg [dreg:$0x3]  }
0x82: {  	s0 =	sadd.s32 @!p0 $0x100000, s0  }
0x83: {  	[sflag:s0] =	ssyncadd.tile.s32 @!p0 $0x1;
	_ =	shalt  }
.Lfunc_end2:
_tile_overlayer_lowered:
.L_overlay_start_2:
0x84: {  	(tag) =	ssettag $0x2  }
0x85: {  	s0 =	rddreg [dreg:$0x0];
	s2 =	stileid.u32  }
0x86: {  	s1 =	rddreg [dreg:$0x1];
	p0 =	sne.s32 s2, $0x0  }
0x87: {  	s3 =	rddreg [dreg:$0x2];
	[bflag:$0x3] =	sbarrier.arrive $0xFFFF;
	s2 =	simm.s32 @!p0 $0x1C03  }
0x88: {  	[timem:s3], [sflag:s2] =	dma.local @!p0 [hbm:s0], s1  }
0x89: {  	s0 =	simm.s32 @!p0 $0x3  }
0x8a: {  	_ =	swait.ge @!p0 [sflag:s0], s1  }
0x8b: {  	s1 =	ssub.s32 @!p0 $0x0, s1;
	[sflag:s0] =	ssyncset.done @!p0 $0x0  }
0x8c: {  	[sflag:s0] =	ssyncadd.s32 @!p0 s1  }
0x8d: {  	[bflag:$0x3] =	sbarrier.arrive $0xFFFF  }
0x8e: {  	_ =	shalt  }

// kernel: kernel.13.cloned.1.call-start
scs
__scs_entry_jumppad:
0x0: {  	(pc) =	sbr.rel $0x88, $3  }
0x1: {  	(tag) =	ssettag $0x0;
	lr =	simm.s32 $0x1  }
0x2: {  	[smem:$0x3F99] =	sst lr;
	_ =	strace $0xD0000000  }
0x3: {  	_ = 	snop  }
0x4: {  	_ = 	snop  }
0x5: {  	_ = 	snop  }
0x6: {  	_ = 	snop  }
0x7: {  	_ = 	snop  }
__scs_overlays_trampoline_lowered:
0x8: {  	[smem:$0x3FA8] =	sst s0  }
0x9: {  	[smem:$0x3FA9] =	sst s1  }
0xa: {  	[smem:$0x3FAA] =	sst s2  }
0xb: {  	[smem:$0x3FAB] =	sst s3  }
0xc: {  	[smem:$0x3FAC] =	sst s4  }
0xd: {  	[smem:$0x3FAD] =	sst s5  }
0xe: {  	[smem:$0x3FAE] =	sst s6  }
0xf: {  	[smem:$0x3FAF] =	sst s7  }
0x10: {  	[smem:$0x3FB0] =	sst s8  }
0x11: {  	[smem:$0x3FB1] =	sst s9;
	s0 =	simm.s32 @!p0 $0x0  }
0x12: {  	s1 =	sld [smem:$0x3F97];
	s0 =	simm.s32 @p0 $0x1  }
0x13: {  	[smem:$0x3FB2] =	sst s0;
	s0 =	simm.s32 @!p1 $0x0  }
0x14: {  	s2 =	sld [smem:$0x3F96];
	s0 =	simm.s32 @p1 $0x1  }
0x15: {  	[smem:$0x3FB3] =	sst s0;
	s0 =	simm.s32 @!p2 $0x0  }
0x16: {  	s3 =	sld [smem:$0x3FDB];
	s0 =	simm.s32 @p2 $0x1  }
0x17: {  	s4 =	simm.s32 $0x1BF5;
	[smem:$0x3FB5] =	sst s0  }
0x18: {  	s0 =	sld [smem:$0x3F98];
	_ =	swait.ge [sflag:s4], $0x0  }
0x19: {  	s7 =	sld [smem:$0x3F99]  }
0x1a: {  	s8 =	sadd.s32 $0xFFFFE003, lr  }
0x1b: {  	s9 =	sadd.s32 $0xFFFFFEF7, lr;
	s5 =	simm.s32 $0xFFFFFFFF;
	p2 =	slt.u32 s8, $0xFFFFF086  }
0x1c: {  	p1 =	slt.u32 s9, $0xF7A;
	s5 =	simm.s32 @!p2 $0x0  }
0x1d: {  	s5 =	simm.s32 @p1 $0x1;
	p0 =	seq.s32 s7, s2  }
0x1e: {  	s7 =	smul.u32 @!p0 $0xF7A, s2;
	p2 =	seq.s32 @!p0 s5, $0x0  }
0x1f: {  	s9 =	smul.u32 $0xF7A, s1;
	s8 =	simm.s32 @!p0 $0x1BF5;
	p2 =	por !p2, p0  }
0x20: {  	[sflag:s8] =	ssyncset.s32 @!p0 $0xFFFFF086;
	s6 =	sadd.s32 @!p0 s3, s7;
	s7 =	simm.s32 @!p0 $0x108  }
0x21: {  	s3 =	sadd.s32 s3, s9;
	s6 =	sadd.s32 @!p0 $0x88, s6;
	s7 =	simm.s32 @p2 $0x1082  }
0x22: {  	[simem:s7], [sflag:s8] =	dma.local @!p0 [hbm:s6], $0xF7A  }
0x23: {  	s9 =	sor.u32 $0xD0000000, s2;
	s6 =	simm.s32 $0x108;
	_ =	swait.ge @!p0 [sflag:s8], $0x0  }
0x24: {  	s3 =	sadd.s32 $0x88, s3;
	s6 =	simm.s32 @!p1 $0x1082;
	[sflag:s4] =	ssyncset.s32 $0xFFFFF086  }
0x25: {  	[simem:s6], [sflag:s4] =	dma.local [hbm:s3], $0xF7A  }
0x26: {  	[smem:$0x3F99] =	sst s1;
	(tag) =	ssettag s2;
	_ =	strace s9  }
0x27: {  	s1 =	sld [smem:$0x3FA9]  }
0x28: {  	s2 =	sld [smem:$0x3FAA]  }
0x29: {  	s4 =	sld [smem:$0x3FAC]  }
0x2a: {  	p0 =	seq.s32 s5, $0x0;
	s5 =	sld [smem:$0x3FAD]  }
0x2b: {  	s6 =	sld [smem:$0x3FAE]  }
0x2c: {  	s7 =	sld [smem:$0x3FAF]  }
0x2d: {  	s3 =	simm.s32 $0x108;
	s8 =	sld [smem:$0x3FB0]  }
0x2e: {  	s3 =	simm.s32 @!p0 $0x1082;
	s9 =	sld [smem:$0x3FB1]  }
0x2f: {  	lr =	sadd.s32 s0, s3;
	s0 =	sld [smem:$0x3FA8]  }
0x30: {  	s3 =	sld [smem:$0x3FAB]  }
0x31: {  	[smem:$0x3FB4] =	sst s10  }
0x32: {  	s10 =	sld [smem:$0x3FB2];
	_ =	sdelay $0x3  }
0x33: {  	p0 =	seq.s32 s10, $0x1;
	s10 =	sld [smem:$0x3FB4];
	_ =	sdelay $0x3  }
0x34: {  	[smem:$0x3FB4] =	sst s10  }
0x35: {  	s10 =	sld [smem:$0x3FB3];
	_ =	sdelay $0x3  }
0x36: {  	p1 =	seq.s32 s10, $0x1;
	s10 =	sld [smem:$0x3FB4];
	_ =	sdelay $0x3  }
0x37: {  	[smem:$0x3FB4] =	sst s10  }
0x38: {  	s10 =	sld [smem:$0x3FB5]  }
0x39: {  	_ = 	snop;
	(pc) =	sbr.ind lr, $3  }
0x3a: {  	_ = 	snop  }
0x3b: {  	_ = 	snop  }
0x3c: {  	p2 =	seq.s32 s10, $0x1;
	s10 =	sld [smem:$0x3FB4]  }
0x3d: {  	_ =	shalt  }
0x3e: {  	_ =	shalt  }
0x3f: {  	_ =	shalt  }
0x40: {  	_ =	shalt  }
0x41: {  	_ =	shalt  }
0x42: {  	_ =	shalt  }
0x43: {  	_ =	shalt  }
0x44: {  	_ =	shalt  }
0x45: {  	_ =	shalt  }
0x46: {  	_ =	shalt  }
0x47: {  	_ =	shalt  }
0x48: {  	_ =	shalt  }
0x49: {  	_ =	shalt  }
0x4a: {  	_ =	shalt  }
0x4b: {  	_ =	shalt  }
0x4c: {  	_ =	shalt  }
0x4d: {  	_ =	shalt  }
0x4e: {  	_ =	shalt  }
0x4f: {  	_ =	shalt  }
0x50: {  	_ =	shalt  }
0x51: {  	_ =	shalt  }
0x52: {  	_ =	shalt  }
0x53: {  	_ =	shalt  }
0x54: {  	_ =	shalt  }
0x55: {  	_ =	shalt  }
0x56: {  	_ =	shalt  }
0x57: {  	_ =	shalt  }
0x58: {  	_ =	shalt  }
0x59: {  	_ =	shalt  }
0x5a: {  	_ =	shalt  }
0x5b: {  	_ =	shalt  }
0x5c: {  	_ =	shalt  }
0x5d: {  	_ =	shalt  }
0x5e: {  	_ =	shalt  }
0x5f: {  	_ =	shalt  }
0x60: {  	_ =	shalt  }
0x61: {  	_ =	shalt  }
0x62: {  	_ =	shalt  }
0x63: {  	_ =	shalt  }
0x64: {  	_ =	shalt  }
0x65: {  	_ =	shalt  }
0x66: {  	_ =	shalt  }
0x67: {  	_ =	shalt  }
0x68: {  	_ =	shalt  }
0x69: {  	_ =	shalt  }
0x6a: {  	_ =	shalt  }
0x6b: {  	_ =	shalt  }
0x6c: {  	_ =	shalt  }
0x6d: {  	_ =	shalt  }
0x6e: {  	_ =	shalt  }
0x6f: {  	_ =	shalt  }
0x70: {  	_ =	shalt  }
0x71: {  	_ =	shalt  }
0x72: {  	_ =	shalt  }
0x73: {  	_ =	shalt  }
0x74: {  	_ =	shalt  }
0x75: {  	_ =	shalt  }
0x76: {  	_ =	shalt  }
0x77: {  	_ =	shalt  }
0x78: {  	_ =	shalt  }
0x79: {  	_ =	shalt  }
0x7a: {  	_ =	shalt  }
0x7b: {  	_ =	shalt  }
0x7c: {  	_ =	shalt  }
0x7d: {  	_ =	shalt  }
0x7e: {  	_ =	shalt  }
0x7f: {  	_ =	shalt  }
0x80: {  	_ =	shalt  }
0x81: {  	_ =	shalt  }
0x82: {  	_ =	shalt  }
0x83: {  	_ =	shalt  }
0x84: {  	_ =	shalt  }
0x85: {  	_ =	shalt  }
0x86: {  	_ =	shalt  }
0x87: {  	_ =	shalt  }
.Lfunc_end0:
.L_simem_size_0:
called_computation.2_lowered:
.L_overlay_start_0:
0x88: {  	s2 =	sld [smem:$0x3FD9]  }
0x89: {  	s3 =	sld [smem:$0x3FFE];
	_ =	sdelay $0x1  }
0x8a: {  	s1 =	srdreg.scid  }
0x8b: {  	s0 =	sand.u32 $0x1, s1  }
0x8c: {  	s17 =	sshll.u32 s0, $0xA;
	s2 =	sadd.s32 s3, s2  }
0x8d: {  	s2 =	sadd.s32 s2, s17  }
0x8e: {  	[smem:$0x3FC0] =	sst s2  }
0x8f: {  	_ = 	snop  }
0x90: {  	s2 =	sld [smem:$0x3FD0];
	(tm) =	ssettm $0x1  }
0x91: {  	s18 =	sld [smem:$0x3FFB];
	_ =	sdelay $0x3  }
0x92: {  	_ =	strace s18  }
0x93: {  	s3 =	sld [smem:$0x3FFC];
	_ =	sdelay $0x3  }
0x94: {  	_ =	strace s3  }
0x95: {  	s3 =	sld [smem:$0x3FFD];
	_ =	sdelay $0x3  }
0x96: {  	_ =	strace s3  }
0x97: {  	_ =	strace $0x8FFFFFFF  }
0x98: {  	s19 =	sld [smem:$0x3FDB];
	_ =	sdelay $0x1  }
0x99: {  	s4 =	simm.s32 $_scs_section_size  }
0x9a: {  	s5 =	simm.s32 $_size__tile_overlayer_lowered;
	s6 =	simm.s32 $_tile_overlayer_lowered  }
0x9b: {  	s22 =	simm.s32 $0x1BFF;
	s21 =	sshll.u32 s6, $0x1;
	s3 =	sadd.s32 s4, s19  }
0x9c: {  	s7 =	simm.s32 $0x0;
	s20 =	sshll.u32 s5, $0x1;
	s5 =	sadd.s32 s21, s3  }
0x9d: {  	[timem:s7], [sflag:s22] =	dma.local [hbm:s5], s20  }
0x9e: {  	_ =	swait.ge [sflag:s22], s20  }
0x9f: {  	s4 =	ssub.s32 $0x0, s20;
	[sflag:s22] =	ssyncset.done $0x0  }
0xa0: {  	[sflag:s22] =	ssyncadd.s32 s4;
	_ =	sdelay $0x1  }
0xa1: {  	s23 =	simm.s32 $0x1B8B  }
0xa2: {  	_ =	swait.ge [sflag:s23], $0x1  }
0xa3: {  	[sflag:s23] =	ssyncset.done $0x0  }
0xa4: {  	s25 =	simm.s32 $0x1B8E;
	s24 =	sld [smem:$0x3FFE];
	[sflag:s23] =	ssyncadd.s32 $0xFFFFFFFF  }
0xa5: {  	s26 =	simm.s32 $execute0_lowered;
	[smem:$0x3FD2] =	sst s25  }
0xa6: {  	s5 =	sshll.u32 s26, $0x1;
	_ =	strace $0x8000004C;
	[dreg:$0x1] =	wrdreg $0xFFFFFFFF  }
0xa7: {  	s28 =	simm.s32 $_size_execute0_lowered;
	s3 =	sadd.s32 s3, s5;
	[dreg:$0x0] =	wrdreg $0x0  }
0xa8: {  	s5 =	sshll.u32 s28, $0x1;
	[dreg:$0x2] =	wrdreg s3  }
0xa9: {  	[dreg:$0x3] =	wrdreg s5  }
0xaa: {  	[dreg:$0x4] =	wrdreg $0xC0  }
0xab: {  	_ =	task [dreg:s7], $0x5FFFF  }
0xac: {  	[dreg:$0x1] =	wrdreg $0xFFFFFFFF  }
0xad: {  	[dreg:$0x0] =	wrdreg $0x60  }
0xae: {  	[dreg:$0x2] =	wrdreg s24  }
0xaf: {  	[dreg:$0x3] =	wrdreg s2  }
0xb0: {  	[dreg:$0x4] =	wrdreg $0x52000  }
0xb1: {  	[dreg:$0x5] =	wrdreg $0x9  }
0xb2: {  	_ =	task.clear_ibuf [dreg:s7], $0x6FFFF;
	_ =	strace $0x9000004C  }
0xb3: {  	s29 =	simm.s32 $0x9;
	_ =	strace $0x8000004E  }
0xb4: {  	_ =	swait.ge [sflag:s29], $0x1  }
0xb5: {  	[sflag:s29] =	ssyncadd.s32 $0xFFFFFFFF  }
0xb6: {  	_ =	strace $0x9000004E  }
0xb7: {  	_ =	sfence  }
0xb8: {  	s30 =	sld [smem:$0x0];
	_ =	sdelay $0x2  }
0xb9: {  	s31 =	sshll.u32 s1, $0xD;
	s1 =	sshrl.u32 s1, $0x2  }
0xba: {  	s3 =	sand.u32 $0x4000, s31;
	s1 =	sadd.s32 s1, s30  }
0xbb: {  	s0 =	sor.u32 s3, s0;
	s1 =	sshll.u32 s1, $0x11  }
0xbc: {  	s0 =	sor.u32 s1, s0  }
0xbd: {  	s0 =	sadd.s32 $0x8F2B, s0  }
0xbe: {  	[sflag:s0] =	ssyncadd.remote.s32 $0x1  }
0xbf: {  	_ =	sfence.sel $0xFFFF  }
0xc0: {  	[dreg:$0x0] =	wrdreg $0xFFFFFFFF;
	(pc) =	sbr.abs _section_cstart, $3  }
0xc1: {  	[dreg:$0x1] =	wrdreg $0xFFFFFFFF  }
0xc2: {  	_ =	task.clear_ibuf [dreg:s7], $0x2FFFF;
	_ =	strace $0x9FFFFFFF  }
0xc3: {  	(tm) =	ssettm $0x7FFFFFFF  }
tec
execute0_lowered:
.L_overlay_start_1:
0x0: {  	(tag) =	ssettag $0x1  }
0x1: {  	s0 =	rddreg [dreg:$0x0]  }
0x2: {  	s2 =	rddreg [dreg:$0x1]  }
0x3: {  	s3 =	rddreg [dreg:$0x2]  }
0x4: {  	s1 =	stileid.u32;
	s5 =	srdreg.scid;
	s4 =	simm.s32 $0x0  }
0x5: {  	s28 =	simm.s32 $0x1;
	s29 =	simm.s32 $0x2;
	s6 =	smul.u32 $0x14000, s1  }
0x6: {  	s30 =	simm.s32 $0x0;
	s13 =	sand.u32 $0x1, s5;
	s10 =	smul.u32 $0x50000, s1  }
0x7: {  	[smem:$0x7FF] =	sst s4;
	s5 =	sadd.s32 $0x34000, s0;
	s18 =	smul.u32 $0x7D, s1  }
0x8: {  	s23 =	sshll.u32 s1, $0x6;
	s7 =	smul.u32 $0x140000, s13;
	_ =	strace $0x8000004D  }
0x9: {  	s9 =	ssub.s32 $0x2, s13;
	s11 =	sshll.u32 s13, $0x4;
	s17 =	smul.u32 $0x7D0, s13  }
0xa: {  	s19 =	smul.u32 $0x4E20, s13;
	s8 =	sshrl.u32 s6, $0x3;
	s11 =	sor.u32 s1, s11  }
0xb: {  	s20 =	sshrl.u32 s9, $0x1;
	s21 =	sshrl.u32 s10, $0x2;
	s22 =	smul.u32 $0x7D, s11  }
0xc: {  	s7 =	sadd.s32 s6, s7;
	s6 =	sadd.s32 $0x2200, s0;
	s12 =	smul.u32 $0x2710, s11  }
0xd: {  	s8 =	sadd.s32 s8, s0;
	s15 =	ssub.s32 s9, s20;
	s11 =	smul.u32 $0x4E2, s11  }
0xe: {  	s16 =	sadd.s32 s21, s3;
	s20 =	smul.u32 $0x4E2, s1;
	s25 =	sadd.s32 s18, s17  }
0xf: {  	s31 =	sadd.s32 s19, s2;
	s21 =	simm.s32 $0x80;
	s7 =	sshrl.u32 s7, $0x3  }
0x10: {  	s24 =	sadd.s32 $0xC000, s8;
	s8 =	sor.u32 $0x1C03, s23;
	s15 =	smax.u32 s15, $0x1  }
0x11: {  	s26 =	sadd.s32 s19, s6;
	s19 =	sshrl.u32 s16, $0x3;
	s23 =	simm.s32 $0x200  }
0x12: {  	s0 =	sadd.s32 s7, s0;
	[dreg:$0x4] =	wrdreg s24;
	s9 =	sadd.s32 $0x7C, s22  }
0x13: {  	s12 =	sshrl.u32 s12, $0x3;
	s10 =	sadd.s32 s6, s11;
	s11 =	sadd.s32 s2, s11  }
0x14: {  	s17 =	sadd.s32 s20, s26;
	s18 =	sadd.s32 s20, s31;
	s20 =	simm.s32 $0x3  }
0x15: {  	s22 =	simm.s32 $0x50;
	s24 =	simm.s32 $0x100;
	s14 =	sadd.s32 $0xA, s12  }
0x16: {  	s26 =	simm.s32 $0x2A00;
	s12 =	sadd.s32 s6, s14;
	s13 =	sadd.s32 s2, s14  }
0x17: {  	s14 =	sadd.s32 $0xAC000, s0;
	s0 =	sadd.s32 $0x3, s25;
	s25 =	simm.s32 $0x180  }
.LBB2_1:
0x18: {  	s1 =	rddreg [dreg:$0x4]  }
0x19: {  	[spmem:s19], [sflag:s8] =	dma.local [hbm:s1], $0x2800  }
0x1a: {  	_ =	swait.ge [sflag:s20], $0x2800  }
0x1b: {  	[sflag:s20] =	ssyncset.done $0x0  }
0x1c: {  	[sflag:s20] =	ssyncadd.s32 $0xFFFFD800  }
0x1d: {  	[bflag:$0x0] =	sbarrier.arrive $0xFFFF  }
0x1e: {  	[tilespmem:s4], [sflag:$0x3] =	stream.linear.gather [hbm4b:s10+s4], $0x50, $0x38;
	[tilespmem:$0x19200] =	vst v63  }
0x1f: {  	_ =	swait.ge [sflag:s20], $0x50  }
0x20: {  	[sflag:s20] =	ssyncset.done $0x0  }
0x21: {  	[sflag:s20] =	ssyncadd.s32 $0xFFFFFFB0  }
0x22: {  	[tilespmem:s21], [sflag:$0x3] =	stream.linear.gather [hbm4b:s11+s4], $0x50, $0x38;
	[tilespmem:$0x19200] =	vst v63  }
0x23: {  	_ =	swait.ge [sflag:s20], $0x50  }
0x24: {  	[sflag:s20] =	ssyncset.done $0x0  }
0x25: {  	[sflag:s20] =	ssyncadd.s32 $0xFFFFFFB0  }
0x26: {  	[tilespmem:s23], [sflag:$0x1] =	stream.indirect.gather [hbm4b:s5+s22], $0x80, s4, s22, $0xb8;
	[tilespmem:$0x19200] =	vst v63  }
0x27: {  	_ = 	snop  }
0x28: {  	[tilespmem:s24], [sflag:$0x3] =	stream.linear.gather [hbm4b:s12+s4], $0x50, $0x38;
	[tilespmem:$0x19200] =	vst v63  }
0x29: {  	_ =	swait.ge [sflag:s20], $0x50  }
0x2a: {  	[sflag:s20] =	ssyncset.done $0x0  }
0x2b: {  	[sflag:s20] =	ssyncadd.s32 $0xFFFFFFB0  }
0x2c: {  	[tilespmem:s25], [sflag:$0x3] =	stream.linear.gather [hbm4b:s13+s4], $0x50, $0x38;
	[tilespmem:$0x19200] =	vst v63  }
0x2d: {  	_ =	swait.ge [sflag:s20], $0x50  }
0x2e: {  	[sflag:s20] =	ssyncset.done $0x0  }
0x2f: {  	[sflag:s20] =	ssyncadd.s32 $0xFFFFFFB0  }
0x30: {  	[tilespmem:s26], [sflag:$0x2] =	stream.indirect.gather [hbm4b:s5+s22], $0x80, s24, s22, $0xb8;
	[tilespmem:$0x19200] =	vst v63  }
0x31: {  	_ =	swait.ge [sflag:s28], $0x2800  }
0x32: {  	[sflag:s28] =	ssyncset.done $0x0  }
0x33: {  	[sflag:s28] =	ssyncadd.s32 $0xFFFFD800  }
0x34: {  	[spmem:s3] =	stream.indirect.scatter.add.f32 [tilespmem:s23], [sflag:$0x3], $0x80, s21, s22, $0xb8;
	[tilespmem:$0x19200] =	vst v63  }
0x35: {  	_ =	swait.ge [sflag:s20], $0x2800  }
0x36: {  	[sflag:s20] =	ssyncset.done $0x0  }
0x37: {  	s16 =	sadd.s32 $0x14, s17;
	[sflag:s20] =	ssyncadd.s32 $0xFFFFD800  }
0x38: {  	[tilespmem:s4], [sflag:$0x3] =	stream.linear.gather [hbm4b:s16+s4], $0x50, $0x38;
	[tilespmem:$0x19200] =	vst v63  }
0x39: {  	_ =	swait.ge [sflag:s20], $0x50  }
0x3a: {  	[sflag:s20] =	ssyncset.done $0x0  }
0x3b: {  	s7 =	sadd.s32 $0x14, s18;
	[sflag:s20] =	ssyncadd.s32 $0xFFFFFFB0  }
0x3c: {  	[tilespmem:s21], [sflag:$0x3] =	stream.linear.gather [hbm4b:s7+s4], $0x50, $0x38;
	[tilespmem:$0x19200] =	vst v63  }
0x3d: {  	_ =	swait.ge [sflag:s20], $0x50  }
0x3e: {  	[sflag:s20] =	ssyncset.done $0x0  }
0x3f: {  	[sflag:s20] =	ssyncadd.s32 $0xFFFFFFB0  }
0x40: {  	[tilespmem:s23], [sflag:$0x1] =	stream.indirect.gather [hbm4b:s5+s22], $0x80, s4, s22, $0xb8;
	[tilespmem:$0x19200] =	vst v63  }
0x41: {  	_ =	swait.ge [sflag:s29], $0x2800  }
0x42: {  	p0 =	slt.s32 s0, s9;
	s16 =	smov.u32 s9;
	[sflag:s29] =	ssyncset.done $0x0  }
0x43: {  	s16 =	smov.u32 @p0 s0;
	[sflag:s29] =	ssyncadd.s32 $0xFFFFD800  }
0x44: {  	[spmem:s3] =	stream.indirect.scatter.add.f32 [tilespmem:s26], [sflag:$0x3], $0x80, s25, s22, $0xb8;
	[tilespmem:$0x19200] =	vst v63  }
0x45: {  	s16 =	smul.u32 $0xA, s16;
	_ =	swait.ge [sflag:s20], $0x2800  }
0x46: {  	[sflag:s20] =	ssyncset.done $0x0  }
0x47: {  	s31 =	sadd.s32 s6, s16;
	[sflag:s20] =	ssyncadd.s32 $0xFFFFD800  }
0x48: {  	[tilespmem:s24], [sflag:$0x3] =	stream.linear.gather [hbm4b:s31+s4], $0x50, $0x38;
	[tilespmem:$0x19200] =	vst v63  }
0x49: {  	_ =	swait.ge [sflag:s20], $0x50  }
0x4a: {  	[sflag:s20] =	ssyncset.done $0x0  }
0x4b: {  	s16 =	sadd.s32 s2, s16;
	[sflag:s20] =	ssyncadd.s32 $0xFFFFFFB0  }
0x4c: {  	[tilespmem:s25], [sflag:$0x3] =	stream.linear.gather [hbm4b:s16+s4], $0x50, $0x38;
	[tilespmem:$0x19200] =	vst v63  }
0x4d: {  	s31 =	simm.s32 $0x28;
	s16 =	smov.u32 s0;
	_ =	swait.ge [sflag:s20], $0x50  }
.LBB2_2:
0x4e: {  	p0 =	sne.s32 s31, $0x4D8;
	[sflag:s20] =	ssyncset.done $0x0;
	s16 =	sadd.s32 $0x2, s16  }
0x4f: {  	s1 =	smov.u32 s31;
	s31 =	sadd.s32 $0x14, s31;
	[sflag:s20] =	ssyncadd.s32 $0xFFFFFFB0  }
0x50: {  	[tilespmem:s26], [sflag:$0x2] =	stream.indirect.gather [hbm4b:s5+s22], $0x80, s24, s22, $0xb8;
	[tilespmem:$0x19200] =	vst v63  }
0x51: {  	_ =	swait.ge [sflag:s28], $0x2800  }
0x52: {  	[sflag:s28] =	ssyncset.done $0x0  }
0x53: {  	[sflag:s28] =	ssyncadd.s32 $0xFFFFD800  }
0x54: {  	[spmem:s3] =	stream.indirect.scatter.add.f32 [tilespmem:s23], [sflag:$0x3], $0x80, s21, s22, $0xb8;
	[tilespmem:$0x19200] =	vst v63  }
0x55: {  	_ =	swait.ge [sflag:s20], $0x2800  }
0x56: {  	[sflag:s20] =	ssyncset.done $0x0  }
0x57: {  	s7 =	sadd.s32 s1, s17;
	[sflag:s20] =	ssyncadd.s32 $0xFFFFD800  }
0x58: {  	[tilespmem:s4], [sflag:$0x3] =	stream.linear.gather [hbm4b:s7+s4], $0x50, $0x38;
	[tilespmem:$0x19200] =	vst v63  }
0x59: {  	_ =	swait.ge [sflag:s20], $0x50  }
0x5a: {  	[sflag:s20] =	ssyncset.done $0x0  }
0x5b: {  	s1 =	sadd.s32 s1, s18;
	[sflag:s20] =	ssyncadd.s32 $0xFFFFFFB0  }
0x5c: {  	[tilespmem:s21], [sflag:$0x3] =	stream.linear.gather [hbm4b:s1+s4], $0x50, $0x38;
	[tilespmem:$0x19200] =	vst v63  }
0x5d: {  	_ =	swait.ge [sflag:s20], $0x50  }
0x5e: {  	[sflag:s20] =	ssyncset.done $0x0  }
0x5f: {  	[sflag:s20] =	ssyncadd.s32 $0xFFFFFFB0  }
0x60: {  	[tilespmem:s23], [sflag:$0x1] =	stream.indirect.gather [hbm4b:s5+s22], $0x80, s4, s22, $0xb8;
	[tilespmem:$0x19200] =	vst v63  }
0x61: {  	_ =	swait.ge [sflag:s29], $0x2800  }
0x62: {  	[sflag:s29] =	ssyncset.done $0x0  }
0x63: {  	p1 =	slt.s32 s16, s9;
	s1 =	smov.u32 s9;
	[sflag:s29] =	ssyncadd.s32 $0xFFFFD800  }
0x64: {  	[spmem:s3] =	stream.indirect.scatter.add.f32 [tilespmem:s26], [sflag:$0x3], $0x80, s25, s22, $0xb8;
	[tilespmem:$0x19200] =	vst v63  }
0x65: {  	s1 =	smov.u32 @p1 s16;
	_ =	swait.ge [sflag:s20], $0x2800  }
0x66: {  	s1 =	smul.u32 $0xA, s1;
	[sflag:s20] =	ssyncset.done $0x0  }
0x67: {  	[sflag:s20] =	ssyncadd.s32 $0xFFFFD800  }
0x68: {  	s7 =	sadd.s32 s6, s1  }
0x69: {  	[tilespmem:s24], [sflag:$0x3] =	stream.linear.gather [hbm4b:s7+s4], $0x50, $0x38;
	[tilespmem:$0x19200] =	vst v63  }
.Ltmp0:
0x6a: {  	_ =	swait.ge [sflag:s20], $0x50;
	(pc) =	sbr.rel @p0 .LBB2_2-.Ltmp0, $4  }
0x6b: {  	s1 =	sadd.s32 s2, s1;
	[sflag:s20] =	ssyncset.done $0x0  }
0x6c: {  	[sflag:s20] =	ssyncadd.s32 $0xFFFFFFB0  }
0x6d: {  	[tilespmem:s25], [sflag:$0x3] =	stream.linear.gather [hbm4b:s1+s4], $0x50, $0x38;
	[tilespmem:$0x19200] =	vst v63  }
0x6e: {  	_ =	swait.ge [sflag:s20], $0x50  }
0x6f: {  	[sflag:s20] =	ssyncset.done $0x0  }
0x70: {  	[sflag:s20] =	ssyncadd.s32 $0xFFFFFFB0  }
0x71: {  	_ =	swait.ge [sflag:s28], $0x2800  }
0x72: {  	[sflag:s28] =	ssyncset.done $0x0  }
0x73: {  	[sflag:s28] =	ssyncadd.s32 $0xFFFFD800  }
0x74: {  	[spmem:s3] =	stream.indirect.scatter.add.f32 [tilespmem:s23], [sflag:$0x3], $0x80, s21, s22, $0xb8;
	[tilespmem:$0x19200] =	vst v63  }
0x75: {  	_ =	swait.ge [sflag:s20], $0x2800  }
0x76: {  	s30 =	sadd.s32 $0x1, s30;
	[sflag:s20] =	ssyncset.done $0x0  }
0x77: {  	p0 =	sne.s32 s30, s15;
	[sflag:s20] =	ssyncadd.s32 $0xFFFFD800  }
.Ltmp1:
0x78: {  	[bflag:$0x0] =	sbarrier.arrive $0xFFFF;
	(pc) =	sbr.rel @p0 .LBB2_1-.Ltmp1, $4  }
0x79: {  	[hbm:s14], [sflag:s8] =	dma.local [spmem:s19], $0x2800  }
0x7a: {  	_ =	swait.ge [sflag:s20], $0x2800  }
0x7b: {  	[sflag:s20] =	ssyncset.done $0x0  }
0x7c: {  	[sflag:s20] =	ssyncadd.s32 $0xFFFFD800  }
0x7d: {  	_ =	sfence.sel $0x180000  }
0x7e: {  	[bflag:$0x0] =	sbarrier.arrive $0xFFFF  }
0x7f: {  	_ =	strace $0x9000004D  }
0x80: {  	s0 =	stileid.u32;
	[bflag:$0x2] =	sbarrier.arrive $0xFFFF  }
0x81: {  	p0 =	sne.s32 s0, $0x0;
	s0 =	rddreg [dreg:$0x3]  }
0x82: {  	s0 =	sadd.s32 @!p0 $0x100000, s0  }
0x83: {  	[sflag:s0] =	ssyncadd.tile.s32 @!p0 $0x1;
	_ =	shalt  }
.Lfunc_end2:
_tile_overlayer_lowered:
.L_overlay_start_2:
0x84: {  	(tag) =	ssettag $0x2  }
0x85: {  	s0 =	rddreg [dreg:$0x0];
	s2 =	stileid.u32  }
0x86: {  	s1 =	rddreg [dreg:$0x1];
	p0 =	sne.s32 s2, $0x0  }
0x87: {  	s3 =	rddreg [dreg:$0x2];
	[bflag:$0x3] =	sbarrier.arrive $0xFFFF;
	s2 =	simm.s32 @!p0 $0x1C03  }
0x88: {  	[timem:s3], [sflag:s2] =	dma.local @!p0 [hbm:s0], s1  }
0x89: {  	s0 =	simm.s32 @!p0 $0x3  }
0x8a: {  	_ =	swait.ge @!p0 [sflag:s0], s1  }
0x8b: {  	s1 =	ssub.s32 @!p0 $0x0, s1;
	[sflag:s0] =	ssyncset.done @!p0 $0x0  }
0x8c: {  	[sflag:s0] =	ssyncadd.s32 @!p0 s1  }
0x8d: {  	[bflag:$0x3] =	sbarrier.arrive $0xFFFF  }
0x8e: {  	_ =	shalt  }

// kernel: kernel.7.cloned.1.call-start
scs
__scs_entry_jumppad:
0x0: {  	(pc) =	sbr.rel $0x88, $3  }
0x1: {  	(tag) =	ssettag $0x0;
	lr =	simm.s32 $0x1  }
0x2: {  	[smem:$0x3F99] =	sst lr;
	_ =	strace $0xD0000000  }
0x3: {  	_ = 	snop  }
0x4: {  	_ = 	snop  }
0x5: {  	_ = 	snop  }
0x6: {  	_ = 	snop  }
0x7: {  	_ = 	snop  }
__scs_overlays_trampoline_lowered:
0x8: {  	[smem:$0x3FA8] =	sst s0  }
0x9: {  	[smem:$0x3FA9] =	sst s1  }
0xa: {  	[smem:$0x3FAA] =	sst s2  }
0xb: {  	[smem:$0x3FAB] =	sst s3  }
0xc: {  	[smem:$0x3FAC] =	sst s4  }
0xd: {  	[smem:$0x3FAD] =	sst s5  }
0xe: {  	[smem:$0x3FAE] =	sst s6  }
0xf: {  	[smem:$0x3FAF] =	sst s7  }
0x10: {  	[smem:$0x3FB0] =	sst s8  }
0x11: {  	[smem:$0x3FB1] =	sst s9;
	s0 =	simm.s32 @!p0 $0x0  }
0x12: {  	s1 =	sld [smem:$0x3F97];
	s0 =	simm.s32 @p0 $0x1  }
0x13: {  	[smem:$0x3FB2] =	sst s0;
	s0 =	simm.s32 @!p1 $0x0  }
0x14: {  	s2 =	sld [smem:$0x3F96];
	s0 =	simm.s32 @p1 $0x1  }
0x15: {  	[smem:$0x3FB3] =	sst s0;
	s0 =	simm.s32 @!p2 $0x0  }
0x16: {  	s3 =	sld [smem:$0x3FDB];
	s0 =	simm.s32 @p2 $0x1  }
0x17: {  	s4 =	simm.s32 $0x1BF5;
	[smem:$0x3FB5] =	sst s0  }
0x18: {  	s0 =	sld [smem:$0x3F98];
	_ =	swait.ge [sflag:s4], $0x0  }
0x19: {  	s7 =	sld [smem:$0x3F99]  }
0x1a: {  	s8 =	sadd.s32 $0xFFFFE003, lr  }
0x1b: {  	s9 =	sadd.s32 $0xFFFFFEF7, lr;
	s5 =	simm.s32 $0xFFFFFFFF;
	p2 =	slt.u32 s8, $0xFFFFF086  }
0x1c: {  	p1 =	slt.u32 s9, $0xF7A;
	s5 =	simm.s32 @!p2 $0x0  }
0x1d: {  	s5 =	simm.s32 @p1 $0x1;
	p0 =	seq.s32 s7, s2  }
0x1e: {  	s7 =	smul.u32 @!p0 $0xF7A, s2;
	p2 =	seq.s32 @!p0 s5, $0x0  }
0x1f: {  	s9 =	smul.u32 $0xF7A, s1;
	s8 =	simm.s32 @!p0 $0x1BF5;
	p2 =	por !p2, p0  }
0x20: {  	[sflag:s8] =	ssyncset.s32 @!p0 $0xFFFFF086;
	s6 =	sadd.s32 @!p0 s3, s7;
	s7 =	simm.s32 @!p0 $0x108  }
0x21: {  	s3 =	sadd.s32 s3, s9;
	s6 =	sadd.s32 @!p0 $0x88, s6;
	s7 =	simm.s32 @p2 $0x1082  }
0x22: {  	[simem:s7], [sflag:s8] =	dma.local @!p0 [hbm:s6], $0xF7A  }
0x23: {  	s9 =	sor.u32 $0xD0000000, s2;
	s6 =	simm.s32 $0x108;
	_ =	swait.ge @!p0 [sflag:s8], $0x0  }
0x24: {  	s3 =	sadd.s32 $0x88, s3;
	s6 =	simm.s32 @!p1 $0x1082;
	[sflag:s4] =	ssyncset.s32 $0xFFFFF086  }
0x25: {  	[simem:s6], [sflag:s4] =	dma.local [hbm:s3], $0xF7A  }
0x26: {  	[smem:$0x3F99] =	sst s1;
	(tag) =	ssettag s2;
	_ =	strace s9  }
0x27: {  	s1 =	sld [smem:$0x3FA9]  }
0x28: {  	s2 =	sld [smem:$0x3FAA]  }
0x29: {  	s4 =	sld [smem:$0x3FAC]  }
0x2a: {  	p0 =	seq.s32 s5, $0x0;
	s5 =	sld [smem:$0x3FAD]  }
0x2b: {  	s6 =	sld [smem:$0x3FAE]  }
0x2c: {  	s7 =	sld [smem:$0x3FAF]  }
0x2d: {  	s3 =	simm.s32 $0x108;
	s8 =	sld [smem:$0x3FB0]  }
0x2e: {  	s3 =	simm.s32 @!p0 $0x1082;
	s9 =	sld [smem:$0x3FB1]  }
0x2f: {  	lr =	sadd.s32 s0, s3;
	s0 =	sld [smem:$0x3FA8]  }
0x30: {  	s3 =	sld [smem:$0x3FAB]  }
0x31: {  	[smem:$0x3FB4] =	sst s10  }
0x32: {  	s10 =	sld [smem:$0x3FB2];
	_ =	sdelay $0x3  }
0x33: {  	p0 =	seq.s32 s10, $0x1;
	s10 =	sld [smem:$0x3FB4];
	_ =	sdelay $0x3  }
0x34: {  	[smem:$0x3FB4] =	sst s10  }
0x35: {  	s10 =	sld [smem:$0x3FB3];
	_ =	sdelay $0x3  }
0x36: {  	p1 =	seq.s32 s10, $0x1;
	s10 =	sld [smem:$0x3FB4];
	_ =	sdelay $0x3  }
0x37: {  	[smem:$0x3FB4] =	sst s10  }
0x38: {  	s10 =	sld [smem:$0x3FB5]  }
0x39: {  	_ = 	snop;
	(pc) =	sbr.ind lr, $3  }
0x3a: {  	_ = 	snop  }
0x3b: {  	_ = 	snop  }
0x3c: {  	p2 =	seq.s32 s10, $0x1;
	s10 =	sld [smem:$0x3FB4]  }
0x3d: {  	_ =	shalt  }
0x3e: {  	_ =	shalt  }
0x3f: {  	_ =	shalt  }
0x40: {  	_ =	shalt  }
0x41: {  	_ =	shalt  }
0x42: {  	_ =	shalt  }
0x43: {  	_ =	shalt  }
0x44: {  	_ =	shalt  }
0x45: {  	_ =	shalt  }
0x46: {  	_ =	shalt  }
0x47: {  	_ =	shalt  }
0x48: {  	_ =	shalt  }
0x49: {  	_ =	shalt  }
0x4a: {  	_ =	shalt  }
0x4b: {  	_ =	shalt  }
0x4c: {  	_ =	shalt  }
0x4d: {  	_ =	shalt  }
0x4e: {  	_ =	shalt  }
0x4f: {  	_ =	shalt  }
0x50: {  	_ =	shalt  }
0x51: {  	_ =	shalt  }
0x52: {  	_ =	shalt  }
0x53: {  	_ =	shalt  }
0x54: {  	_ =	shalt  }
0x55: {  	_ =	shalt  }
0x56: {  	_ =	shalt  }
0x57: {  	_ =	shalt  }
0x58: {  	_ =	shalt  }
0x59: {  	_ =	shalt  }
0x5a: {  	_ =	shalt  }
0x5b: {  	_ =	shalt  }
0x5c: {  	_ =	shalt  }
0x5d: {  	_ =	shalt  }
0x5e: {  	_ =	shalt  }
0x5f: {  	_ =	shalt  }
0x60: {  	_ =	shalt  }
0x61: {  	_ =	shalt  }
0x62: {  	_ =	shalt  }
0x63: {  	_ =	shalt  }
0x64: {  	_ =	shalt  }
0x65: {  	_ =	shalt  }
0x66: {  	_ =	shalt  }
0x67: {  	_ =	shalt  }
0x68: {  	_ =	shalt  }
0x69: {  	_ =	shalt  }
0x6a: {  	_ =	shalt  }
0x6b: {  	_ =	shalt  }
0x6c: {  	_ =	shalt  }
0x6d: {  	_ =	shalt  }
0x6e: {  	_ =	shalt  }
0x6f: {  	_ =	shalt  }
0x70: {  	_ =	shalt  }
0x71: {  	_ =	shalt  }
0x72: {  	_ =	shalt  }
0x73: {  	_ =	shalt  }
0x74: {  	_ =	shalt  }
0x75: {  	_ =	shalt  }
0x76: {  	_ =	shalt  }
0x77: {  	_ =	shalt  }
0x78: {  	_ =	shalt  }
0x79: {  	_ =	shalt  }
0x7a: {  	_ =	shalt  }
0x7b: {  	_ =	shalt  }
0x7c: {  	_ =	shalt  }
0x7d: {  	_ =	shalt  }
0x7e: {  	_ =	shalt  }
0x7f: {  	_ =	shalt  }
0x80: {  	_ =	shalt  }
0x81: {  	_ =	shalt  }
0x82: {  	_ =	shalt  }
0x83: {  	_ =	shalt  }
0x84: {  	_ =	shalt  }
0x85: {  	_ =	shalt  }
0x86: {  	_ =	shalt  }
0x87: {  	_ =	shalt  }
.Lfunc_end0:
.L_simem_size_0:
called_computation_lowered:
.L_overlay_start_0:
0x88: {  	s2 =	sld [smem:$0x3FD9]  }
0x89: {  	s3 =	sld [smem:$0x3FFE];
	_ =	sdelay $0x1  }
0x8a: {  	s1 =	srdreg.scid  }
0x8b: {  	s0 =	sand.u32 $0x1, s1  }
0x8c: {  	s17 =	sshll.u32 s0, $0xA;
	s2 =	sadd.s32 s3, s2  }
0x8d: {  	s2 =	sadd.s32 s2, s17  }
0x8e: {  	[smem:$0x3FC0] =	sst s2  }
0x8f: {  	_ = 	snop  }
0x90: {  	s2 =	sld [smem:$0x3FD0];
	(tm) =	ssettm $0x1  }
0x91: {  	s18 =	sld [smem:$0x3FFB];
	_ =	sdelay $0x3  }
0x92: {  	_ =	strace s18  }
0x93: {  	s3 =	sld [smem:$0x3FFC];
	_ =	sdelay $0x3  }
0x94: {  	_ =	strace s3  }
0x95: {  	s3 =	sld [smem:$0x3FFD];
	_ =	sdelay $0x3  }
0x96: {  	_ =	strace s3  }
0x97: {  	_ =	strace $0x8FFFFFFF  }
0x98: {  	s19 =	sld [smem:$0x3FDB];
	_ =	sdelay $0x1  }
0x99: {  	s4 =	simm.s32 $_scs_section_size  }
0x9a: {  	s5 =	simm.s32 $_size__tile_overlayer_lowered;
	s6 =	simm.s32 $_tile_overlayer_lowered  }
0x9b: {  	s22 =	simm.s32 $0x1BFF;
	s21 =	sshll.u32 s6, $0x1;
	s3 =	sadd.s32 s4, s19  }
0x9c: {  	s7 =	simm.s32 $0x0;
	s20 =	sshll.u32 s5, $0x1;
	s5 =	sadd.s32 s21, s3  }
0x9d: {  	[timem:s7], [sflag:s22] =	dma.local [hbm:s5], s20  }
0x9e: {  	_ =	swait.ge [sflag:s22], s20  }
0x9f: {  	s4 =	ssub.s32 $0x0, s20;
	[sflag:s22] =	ssyncset.done $0x0  }
0xa0: {  	[sflag:s22] =	ssyncadd.s32 s4;
	_ =	sdelay $0x1  }
0xa1: {  	s23 =	simm.s32 $0x1B8B  }
0xa2: {  	_ =	swait.ge [sflag:s23], $0x1  }
0xa3: {  	[sflag:s23] =	ssyncset.done $0x0  }
0xa4: {  	s25 =	simm.s32 $0x1B8E;
	s24 =	sld [smem:$0x3FFE];
	[sflag:s23] =	ssyncadd.s32 $0xFFFFFFFF  }
0xa5: {  	s26 =	simm.s32 $execute0_lowered;
	[smem:$0x3FD2] =	sst s25  }
0xa6: {  	s5 =	sshll.u32 s26, $0x1;
	_ =	strace $0x80000046;
	[dreg:$0x1] =	wrdreg $0xFFFFFFFF  }
0xa7: {  	s28 =	simm.s32 $_size_execute0_lowered;
	s3 =	sadd.s32 s3, s5;
	[dreg:$0x0] =	wrdreg $0x0  }
0xa8: {  	s5 =	sshll.u32 s28, $0x1;
	[dreg:$0x2] =	wrdreg s3  }
0xa9: {  	[dreg:$0x3] =	wrdreg s5  }
0xaa: {  	[dreg:$0x4] =	wrdreg $0xC0  }
0xab: {  	_ =	task [dreg:s7], $0x5FFFF  }
0xac: {  	[dreg:$0x1] =	wrdreg $0xFFFFFFFF  }
0xad: {  	[dreg:$0x0] =	wrdreg $0x60  }
0xae: {  	[dreg:$0x2] =	wrdreg s24  }
0xaf: {  	[dreg:$0x3] =	wrdreg s2  }
0xb0: {  	[dreg:$0x4] =	wrdreg $0x52000  }
0xb1: {  	[dreg:$0x5] =	wrdreg $0x9  }
0xb2: {  	_ =	task.clear_ibuf [dreg:s7], $0x6FFFF;
	_ =	strace $0x90000046  }
0xb3: {  	s29 =	simm.s32 $0x9;
	_ =	strace $0x80000048  }
0xb4: {  	_ =	swait.ge [sflag:s29], $0x1  }
0xb5: {  	[sflag:s29] =	ssyncadd.s32 $0xFFFFFFFF  }
0xb6: {  	_ =	strace $0x90000048  }
0xb7: {  	_ =	sfence  }
0xb8: {  	s30 =	sld [smem:$0x0];
	_ =	sdelay $0x2  }
0xb9: {  	s31 =	sshll.u32 s1, $0xD;
	s1 =	sshrl.u32 s1, $0x2  }
0xba: {  	s3 =	sand.u32 $0x4000, s31;
	s1 =	sadd.s32 s1, s30  }
0xbb: {  	s0 =	sor.u32 s3, s0;
	s1 =	sshll.u32 s1, $0x11  }
0xbc: {  	s0 =	sor.u32 s1, s0  }
0xbd: {  	s0 =	sadd.s32 $0x8F2B, s0  }
0xbe: {  	[sflag:s0] =	ssyncadd.remote.s32 $0x1  }
0xbf: {  	_ =	sfence.sel $0xFFFF  }
0xc0: {  	[dreg:$0x0] =	wrdreg $0xFFFFFFFF;
	(pc) =	sbr.abs _section_cstart, $3  }
0xc1: {  	[dreg:$0x1] =	wrdreg $0xFFFFFFFF  }
0xc2: {  	_ =	task.clear_ibuf [dreg:s7], $0x2FFFF;
	_ =	strace $0x9FFFFFFF  }
0xc3: {  	(tm) =	ssettm $0x7FFFFFFF  }
tec
execute0_lowered:
.L_overlay_start_1:
0x0: {  	(tag) =	ssettag $0x1  }
0x1: {  	s0 =	rddreg [dreg:$0x0]  }
0x2: {  	s2 =	rddreg [dreg:$0x1]  }
0x3: {  	s3 =	rddreg [dreg:$0x2]  }
0x4: {  	s1 =	stileid.u32;
	s5 =	srdreg.scid;
	s4 =	simm.s32 $0x0  }
0x5: {  	s28 =	simm.s32 $0x1;
	s29 =	simm.s32 $0x2;
	s6 =	smul.u32 $0x14000, s1  }
0x6: {  	s30 =	simm.s32 $0x0;
	s13 =	sand.u32 $0x1, s5;
	s10 =	smul.u32 $0x50000, s1  }
0x7: {  	[smem:$0x7FF] =	sst s4;
	s5 =	sadd.s32 $0x34000, s0;
	s18 =	smul.u32 $0x7D, s1  }
0x8: {  	s23 =	sshll.u32 s1, $0x6;
	s7 =	smul.u32 $0x140000, s13;
	_ =	strace $0x80000047  }
0x9: {  	s9 =	ssub.s32 $0x2, s13;
	s11 =	sshll.u32 s13, $0x4;
	s17 =	smul.u32 $0x7D0, s13  }
0xa: {  	s19 =	smul.u32 $0x4E20, s13;
	s8 =	sshrl.u32 s6, $0x3;
	s11 =	sor.u32 s1, s11  }
0xb: {  	s20 =	sshrl.u32 s9, $0x1;
	s21 =	sshrl.u32 s10, $0x2;
	s22 =	smul.u32 $0x7D, s11  }
0xc: {  	s7 =	sadd.s32 s6, s7;
	s6 =	sadd.s32 $0x2200, s0;
	s12 =	smul.u32 $0x2710, s11  }
0xd: {  	s8 =	sadd.s32 s8, s0;
	s15 =	ssub.s32 s9, s20;
	s11 =	smul.u32 $0x4E2, s11  }
0xe: {  	s16 =	sadd.s32 s21, s3;
	s20 =	smul.u32 $0x4E2, s1;
	s25 =	sadd.s32 s18, s17  }
0xf: {  	s31 =	sadd.s32 s19, s2;
	s21 =	simm.s32 $0x80;
	s7 =	sshrl.u32 s7, $0x3  }
0x10: {  	s24 =	sadd.s32 $0xC000, s8;
	s8 =	sor.u32 $0x1C03, s23;
	s15 =	smax.u32 s15, $0x1  }
0x11: {  	s26 =	sadd.s32 s19, s6;
	s19 =	sshrl.u32 s16, $0x3;
	s23 =	simm.s32 $0x200  }
0x12: {  	s0 =	sadd.s32 s7, s0;
	[dreg:$0x4] =	wrdreg s24;
	s9 =	sadd.s32 $0x7C, s22  }
0x13: {  	s12 =	sshrl.u32 s12, $0x3;
	s10 =	sadd.s32 s6, s11;
	s11 =	sadd.s32 s2, s11  }
0x14: {  	s17 =	sadd.s32 s20, s26;
	s18 =	sadd.s32 s20, s31;
	s20 =	simm.s32 $0x3  }
0x15: {  	s22 =	simm.s32 $0x50;
	s24 =	simm.s32 $0x100;
	s14 =	sadd.s32 $0xA, s12  }
0x16: {  	s26 =	simm.s32 $0x2A00;
	s12 =	sadd.s32 s6, s14;
	s13 =	sadd.s32 s2, s14  }
0x17: {  	s14 =	sadd.s32 $0x5C000, s0;
	s0 =	sadd.s32 $0x3, s25;
	s25 =	simm.s32 $0x180  }
.LBB2_1:
0x18: {  	s1 =	rddreg [dreg:$0x4]  }
0x19: {  	[spmem:s19], [sflag:s8] =	dma.local [hbm:s1], $0x2800  }
0x1a: {  	_ =	swait.ge [sflag:s20], $0x2800  }
0x1b: {  	[sflag:s20] =	ssyncset.done $0x0  }
0x1c: {  	[sflag:s20] =	ssyncadd.s32 $0xFFFFD800  }
0x1d: {  	[bflag:$0x0] =	sbarrier.arrive $0xFFFF  }
0x1e: {  	[tilespmem:s4], [sflag:$0x3] =	stream.linear.gather [hbm4b:s10+s4], $0x50, $0x38;
	[tilespmem:$0x19200] =	vst v63  }
0x1f: {  	_ =	swait.ge [sflag:s20], $0x50  }
0x20: {  	[sflag:s20] =	ssyncset.done $0x0  }
0x21: {  	[sflag:s20] =	ssyncadd.s32 $0xFFFFFFB0  }
0x22: {  	[tilespmem:s21], [sflag:$0x3] =	stream.linear.gather [hbm4b:s11+s4], $0x50, $0x38;
	[tilespmem:$0x19200] =	vst v63  }
0x23: {  	_ =	swait.ge [sflag:s20], $0x50  }
0x24: {  	[sflag:s20] =	ssyncset.done $0x0  }
0x25: {  	[sflag:s20] =	ssyncadd.s32 $0xFFFFFFB0  }
0x26: {  	[tilespmem:s23], [sflag:$0x1] =	stream.indirect.gather [hbm4b:s5+s22], $0x80, s4, s22, $0xb8;
	[tilespmem:$0x19200] =	vst v63  }
0x27: {  	_ = 	snop  }
0x28: {  	[tilespmem:s24], [sflag:$0x3] =	stream.linear.gather [hbm4b:s12+s4], $0x50, $0x38;
	[tilespmem:$0x19200] =	vst v63  }
0x29: {  	_ =	swait.ge [sflag:s20], $0x50  }
0x2a: {  	[sflag:s20] =	ssyncset.done $0x0  }
0x2b: {  	[sflag:s20] =	ssyncadd.s32 $0xFFFFFFB0  }
0x2c: {  	[tilespmem:s25], [sflag:$0x3] =	stream.linear.gather [hbm4b:s13+s4], $0x50, $0x38;
	[tilespmem:$0x19200] =	vst v63  }
0x2d: {  	_ =	swait.ge [sflag:s20], $0x50  }
0x2e: {  	[sflag:s20] =	ssyncset.done $0x0  }
0x2f: {  	[sflag:s20] =	ssyncadd.s32 $0xFFFFFFB0  }
0x30: {  	[tilespmem:s26], [sflag:$0x2] =	stream.indirect.gather [hbm4b:s5+s22], $0x80, s24, s22, $0xb8;
	[tilespmem:$0x19200] =	vst v63  }
0x31: {  	_ =	swait.ge [sflag:s28], $0x2800  }
0x32: {  	[sflag:s28] =	ssyncset.done $0x0  }
0x33: {  	[sflag:s28] =	ssyncadd.s32 $0xFFFFD800  }
0x34: {  	[spmem:s3] =	stream.indirect.scatter.add.f32 [tilespmem:s23], [sflag:$0x3], $0x80, s21, s22, $0xb8;
	[tilespmem:$0x19200] =	vst v63  }
0x35: {  	_ =	swait.ge [sflag:s20], $0x2800  }
0x36: {  	[sflag:s20] =	ssyncset.done $0x0  }
0x37: {  	s16 =	sadd.s32 $0x14, s17;
	[sflag:s20] =	ssyncadd.s32 $0xFFFFD800  }
0x38: {  	[tilespmem:s4], [sflag:$0x3] =	stream.linear.gather [hbm4b:s16+s4], $0x50, $0x38;
	[tilespmem:$0x19200] =	vst v63  }
0x39: {  	_ =	swait.ge [sflag:s20], $0x50  }
0x3a: {  	[sflag:s20] =	ssyncset.done $0x0  }
0x3b: {  	s7 =	sadd.s32 $0x14, s18;
	[sflag:s20] =	ssyncadd.s32 $0xFFFFFFB0  }
0x3c: {  	[tilespmem:s21], [sflag:$0x3] =	stream.linear.gather [hbm4b:s7+s4], $0x50, $0x38;
	[tilespmem:$0x19200] =	vst v63  }
0x3d: {  	_ =	swait.ge [sflag:s20], $0x50  }
0x3e: {  	[sflag:s20] =	ssyncset.done $0x0  }
0x3f: {  	[sflag:s20] =	ssyncadd.s32 $0xFFFFFFB0  }
0x40: {  	[tilespmem:s23], [sflag:$0x1] =	stream.indirect.gather [hbm4b:s5+s22], $0x80, s4, s22, $0xb8;
	[tilespmem:$0x19200] =	vst v63  }
0x41: {  	_ =	swait.ge [sflag:s29], $0x2800  }
0x42: {  	p0 =	slt.s32 s0, s9;
	s16 =	smov.u32 s9;
	[sflag:s29] =	ssyncset.done $0x0  }
0x43: {  	s16 =	smov.u32 @p0 s0;
	[sflag:s29] =	ssyncadd.s32 $0xFFFFD800  }
0x44: {  	[spmem:s3] =	stream.indirect.scatter.add.f32 [tilespmem:s26], [sflag:$0x3], $0x80, s25, s22, $0xb8;
	[tilespmem:$0x19200] =	vst v63  }
0x45: {  	s16 =	smul.u32 $0xA, s16;
	_ =	swait.ge [sflag:s20], $0x2800  }
0x46: {  	[sflag:s20] =	ssyncset.done $0x0  }
0x47: {  	s31 =	sadd.s32 s6, s16;
	[sflag:s20] =	ssyncadd.s32 $0xFFFFD800  }
0x48: {  	[tilespmem:s24], [sflag:$0x3] =	stream.linear.gather [hbm4b:s31+s4], $0x50, $0x38;
	[tilespmem:$0x19200] =	vst v63  }
0x49: {  	_ =	swait.ge [sflag:s20], $0x50  }
0x4a: {  	[sflag:s20] =	ssyncset.done $0x0  }
0x4b: {  	s16 =	sadd.s32 s2, s16;
	[sflag:s20] =	ssyncadd.s32 $0xFFFFFFB0  }
0x4c: {  	[tilespmem:s25], [sflag:$0x3] =	stream.linear.gather [hbm4b:s16+s4], $0x50, $0x38;
	[tilespmem:$0x19200] =	vst v63  }
0x4d: {  	s31 =	simm.s32 $0x28;
	s16 =	smov.u32 s0;
	_ =	swait.ge [sflag:s20], $0x50  }
.LBB2_2:
0x4e: {  	p0 =	sne.s32 s31, $0x4D8;
	[sflag:s20] =	ssyncset.done $0x0;
	s16 =	sadd.s32 $0x2, s16  }
0x4f: {  	s1 =	smov.u32 s31;
	s31 =	sadd.s32 $0x14, s31;
	[sflag:s20] =	ssyncadd.s32 $0xFFFFFFB0  }
0x50: {  	[tilespmem:s26], [sflag:$0x2] =	stream.indirect.gather [hbm4b:s5+s22], $0x80, s24, s22, $0xb8;
	[tilespmem:$0x19200] =	vst v63  }
0x51: {  	_ =	swait.ge [sflag:s28], $0x2800  }
0x52: {  	[sflag:s28] =	ssyncset.done $0x0  }
0x53: {  	[sflag:s28] =	ssyncadd.s32 $0xFFFFD800  }
0x54: {  	[spmem:s3] =	stream.indirect.scatter.add.f32 [tilespmem:s23], [sflag:$0x3], $0x80, s21, s22, $0xb8;
	[tilespmem:$0x19200] =	vst v63  }
0x55: {  	_ =	swait.ge [sflag:s20], $0x2800  }
0x56: {  	[sflag:s20] =	ssyncset.done $0x0  }
0x57: {  	s7 =	sadd.s32 s1, s17;
	[sflag:s20] =	ssyncadd.s32 $0xFFFFD800  }
0x58: {  	[tilespmem:s4], [sflag:$0x3] =	stream.linear.gather [hbm4b:s7+s4], $0x50, $0x38;
	[tilespmem:$0x19200] =	vst v63  }
0x59: {  	_ =	swait.ge [sflag:s20], $0x50  }
0x5a: {  	[sflag:s20] =	ssyncset.done $0x0  }
0x5b: {  	s1 =	sadd.s32 s1, s18;
	[sflag:s20] =	ssyncadd.s32 $0xFFFFFFB0  }
0x5c: {  	[tilespmem:s21], [sflag:$0x3] =	stream.linear.gather [hbm4b:s1+s4], $0x50, $0x38;
	[tilespmem:$0x19200] =	vst v63  }
0x5d: {  	_ =	swait.ge [sflag:s20], $0x50  }
0x5e: {  	[sflag:s20] =	ssyncset.done $0x0  }
0x5f: {  	[sflag:s20] =	ssyncadd.s32 $0xFFFFFFB0  }
0x60: {  	[tilespmem:s23], [sflag:$0x1] =	stream.indirect.gather [hbm4b:s5+s22], $0x80, s4, s22, $0xb8;
	[tilespmem:$0x19200] =	vst v63  }
0x61: {  	_ =	swait.ge [sflag:s29], $0x2800  }
0x62: {  	[sflag:s29] =	ssyncset.done $0x0  }
0x63: {  	p1 =	slt.s32 s16, s9;
	s1 =	smov.u32 s9;
	[sflag:s29] =	ssyncadd.s32 $0xFFFFD800  }
0x64: {  	[spmem:s3] =	stream.indirect.scatter.add.f32 [tilespmem:s26], [sflag:$0x3], $0x80, s25, s22, $0xb8;
	[tilespmem:$0x19200] =	vst v63  }
0x65: {  	s1 =	smov.u32 @p1 s16;
	_ =	swait.ge [sflag:s20], $0x2800  }
0x66: {  	s1 =	smul.u32 $0xA, s1;
	[sflag:s20] =	ssyncset.done $0x0  }
0x67: {  	[sflag:s20] =	ssyncadd.s32 $0xFFFFD800  }
0x68: {  	s7 =	sadd.s32 s6, s1  }
0x69: {  	[tilespmem:s24], [sflag:$0x3] =	stream.linear.gather [hbm4b:s7+s4], $0x50, $0x38;
	[tilespmem:$0x19200] =	vst v63  }
.Ltmp0:
0x6a: {  	_ =	swait.ge [sflag:s20], $0x50;
	(pc) =	sbr.rel @p0 .LBB2_2-.Ltmp0, $4  }
0x6b: {  	s1 =	sadd.s32 s2, s1;
	[sflag:s20] =	ssyncset.done $0x0  }
0x6c: {  	[sflag:s20] =	ssyncadd.s32 $0xFFFFFFB0  }
0x6d: {  	[tilespmem:s25], [sflag:$0x3] =	stream.linear.gather [hbm4b:s1+s4], $0x50, $0x38;
	[tilespmem:$0x19200] =	vst v63  }
0x6e: {  	_ =	swait.ge [sflag:s20], $0x50  }
0x6f: {  	[sflag:s20] =	ssyncset.done $0x0  }
0x70: {  	[sflag:s20] =	ssyncadd.s32 $0xFFFFFFB0  }
0x71: {  	_ =	swait.ge [sflag:s28], $0x2800  }
0x72: {  	[sflag:s28] =	ssyncset.done $0x0  }
0x73: {  	[sflag:s28] =	ssyncadd.s32 $0xFFFFD800  }
0x74: {  	[spmem:s3] =	stream.indirect.scatter.add.f32 [tilespmem:s23], [sflag:$0x3], $0x80, s21, s22, $0xb8;
	[tilespmem:$0x19200] =	vst v63  }
0x75: {  	_ =	swait.ge [sflag:s20], $0x2800  }
0x76: {  	s30 =	sadd.s32 $0x1, s30;
	[sflag:s20] =	ssyncset.done $0x0  }
0x77: {  	p0 =	sne.s32 s30, s15;
	[sflag:s20] =	ssyncadd.s32 $0xFFFFD800  }
.Ltmp1:
0x78: {  	[bflag:$0x0] =	sbarrier.arrive $0xFFFF;
	(pc) =	sbr.rel @p0 .LBB2_1-.Ltmp1, $4  }
0x79: {  	[hbm:s14], [sflag:s8] =	dma.local [spmem:s19], $0x2800  }
0x7a: {  	_ =	swait.ge [sflag:s20], $0x2800  }
0x7b: {  	[sflag:s20] =	ssyncset.done $0x0  }
0x7c: {  	[sflag:s20] =	ssyncadd.s32 $0xFFFFD800  }
0x7d: {  	_ =	sfence.sel $0x180000  }
0x7e: {  	[bflag:$0x0] =	sbarrier.arrive $0xFFFF  }
0x7f: {  	_ =	strace $0x90000047  }
0x80: {  	s0 =	stileid.u32;
	[bflag:$0x2] =	sbarrier.arrive $0xFFFF  }
0x81: {  	p0 =	sne.s32 s0, $0x0;
	s0 =	rddreg [dreg:$0x3]  }
0x82: {  	s0 =	sadd.s32 @!p0 $0x100000, s0  }
0x83: {  	[sflag:s0] =	ssyncadd.tile.s32 @!p0 $0x1;
	_ =	shalt  }
.Lfunc_end2:
_tile_overlayer_lowered:
.L_overlay_start_2:
0x84: {  	(tag) =	ssettag $0x2  }
0x85: {  	s0 =	rddreg [dreg:$0x0];
	s2 =	stileid.u32  }
0x86: {  	s1 =	rddreg [dreg:$0x1];
	p0 =	sne.s32 s2, $0x0  }
0x87: {  	s3 =	rddreg [dreg:$0x2];
	[bflag:$0x3] =	sbarrier.arrive $0xFFFF;
	s2 =	simm.s32 @!p0 $0x1C03  }
0x88: {  	[timem:s3], [sflag:s2] =	dma.local @!p0 [hbm:s0], s1  }
0x89: {  	s0 =	simm.s32 @!p0 $0x3  }
0x8a: {  	_ =	swait.ge @!p0 [sflag:s0], s1  }
0x8b: {  	s1 =	ssub.s32 @!p0 $0x0, s1;
	[sflag:s0] =	ssyncset.done @!p0 $0x0  }
0x8c: {  	[sflag:s0] =	ssyncadd.s32 @!p0 s1  }
0x8d: {  	[bflag:$0x3] =	sbarrier.arrive $0xFFFF  }
0x8e: {  	_ =	shalt  }

</sc_bundles>
